<compile_context>
chip_gen: v7x
topology: tpu7x:2x2x1
jax: 0.10.2.dev20260603
libtpu: 0.0.44.dev20260713+nightly
codegen_flags: <defaults>
</compile_context>

<pallas_src>
import jax
import jax.numpy as jnp
from jax import lax
from jax.experimental import pallas as pl
from jax.experimental.pallas import tpu as pltpu
from jax.experimental.pallas import tpu_sc as plsc

_NUM_CORES = 1
_NUM_SUBCORES = 16
_LANES = 16

_B = 4
_S = 8192
_D = 1024
_DB = 480
_DC = 32
_OUT_COLS = 2 * _DB + 1


def _body(table_hbm, idx_hbm, out_hbm, idx_v, rows_v, row_v, sem, out_sem):
    b = lax.axis_index("s") * _NUM_CORES + lax.axis_index("c")

    @pl.when(b < _B)
    def _():
        pltpu.sync_copy(idx_hbm.at[b], idx_v)
        pltpu.async_copy(table_hbm.at[idx_v], rows_v, sem).wait()

        a0 = rows_v[0, pl.ds(2 * _DB, _LANES)]
        a1 = rows_v[0, pl.ds(2 * _DB + _LANES, _LANES)]
        e0 = rows_v[1, pl.ds(2 * _DB + _DC, _LANES)]
        e1 = rows_v[1, pl.ds(2 * _DB + _DC + _LANES, _LANES)]
        p = a0 * e0 + a1 * e1
        s = p[0]
        for i in range(1, _LANES):
            s = s + p[i]
        row_v[pl.ds(2 * _DB - _LANES + 1, _LANES)] = jnp.full(
            (_LANES,), s, jnp.float32)

        for j in range(2 * _DB // _LANES):
            src = 0 if j < _DB // _LANES else 1
            col = pl.ds(j * _LANES, _LANES)
            row_v[col] = rows_v[src, col]

        pltpu.async_copy(row_v, out_hbm.at[b], out_sem).wait()


@jax.jit
def _run(table, idx):
    mesh = plsc.VectorSubcoreMesh(
        core_axis_name="c", subcore_axis_name="s",
        num_cores=_NUM_CORES, num_subcores=_NUM_SUBCORES)
    return pl.kernel(
        _body,
        out_type=jax.ShapeDtypeStruct((_B, _OUT_COLS), jnp.float32),
        mesh=mesh,
        scratch_types=[
            pltpu.VMEM((2,), jnp.int32),
            pltpu.VMEM((2, _D), jnp.float32),
            pltpu.VMEM((_OUT_COLS,), jnp.float32),
            pltpu.SemaphoreType.DMA,
            pltpu.SemaphoreType.DMA,
        ],
    )(table, idx)


def kernel(encoded_input, start_ids, end_ids):
    table = encoded_input.reshape(_B * _S, _D)
    off = jnp.arange(_B, dtype=jnp.int32) * _S
    idx = jnp.stack([start_ids.astype(jnp.int32) + off,
                     end_ids.astype(jnp.int32) + off], axis=1)
    return _run(table, idx)

# --- scband reference (transcript-rebuilt; emitter-appended) ---
"""Pipeline reference for scband-coherent-orig-span-repr-67619965108824 (READ-ONLY COPY).

The authoritative reference and input builder live on the scoring server;
editing this copy changes nothing except your own understanding.
"""

import jax, jax.numpy as jnp
import numpy as np


def setup_inputs(seed: int = 0) -> dict:
    key = jax.random.key(seed)
    k1, k2, k3 = jax.random.split(key, 3)
    encoded_input = jax.random.normal(k1, (4, 8192, 1024), dtype=jnp.float32)
    start_ids = jax.random.randint(k2, (4,), 0, 8192, dtype=jnp.int64 if jax.config.jax_enable_x64 else jnp.int32)
    end_ids = jax.random.randint(k3, (4,), 0, 8192, dtype=jnp.int64 if jax.config.jax_enable_x64 else jnp.int32)
    return {"encoded_input": encoded_input, "start_ids": start_ids, "end_ids": end_ids}


def reference(encoded_input, start_ids, end_ids):
    # use_proj=False, so no projection is applied
    batch_size = encoded_input.shape[0]
    D = int(encoded_input.shape[2])
    d_b = D * 480 // 1024
    d_c = D * 32 // 1024
    ar = jnp.arange(batch_size)
    h_start = encoded_input[ar, start_ids, :]
    h_end = encoded_input[ar, end_ids, :]
    coherence_term = jnp.sum(h_start[:, 2 * d_b:2 * d_b + d_c] * h_end[:, 2 * d_b + d_c:], axis=1, keepdims=True)
    return jnp.concatenate([h_start[:, :d_b], h_end[:, d_b:2 * d_b], coherence_term], axis=1)

if __name__ == "__main__":
    import jax
    _d = setup_inputs()
    print(jax.jit(kernel)(*tuple(_d.values())))

</pallas_src>

<mosaic_0001>
#map = affine_map<(d0, d1) -> (0, 0)>
module attributes {stable_mosaic.version = 14 : i64} {
  func.func @_body(%arg0: i32, %arg1: i32, %arg2: memref<32768x1024xf32, #tpu.memory_space<hbm>>, %arg3: memref<4x2xi32, #tpu.memory_space<hbm>>, %arg4: memref<4x961xf32, #tpu.memory_space<hbm>>, %arg5: memref<2xi32, #tpu.memory_space<vmem>>, %arg6: memref<2x1024xf32, #tpu.memory_space<vmem>>, %arg7: memref<961xf32, #tpu.memory_space<vmem>>, %arg8: memref<!tpu.dma_semaphore, #tpu.memory_space<semaphore_mem>>, %arg9: memref<!tpu.dma_semaphore, #tpu.memory_space<semaphore_mem>>) attributes {dimension_semantics = [#tpu.dimension_semantics<core_parallel>, #tpu.dimension_semantics<subcore_parallel>], iteration_bounds = array<i64: 1, 16>, scalar_prefetch = 0 : i64, scratch_operands = 5 : i64, tpu.core_type = #tpu.core_type<sc_vector_subcore>, window_params = [{transform_indices = #map}, {transform_indices = #map}, {transform_indices = #map}]} {
    %mul3A = arith.constant 1 : i32
    %mul3A_0 = arith.muli %arg1, %mul3A : i32
    %add3A = arith.addi %mul3A_0, %arg0 : i32
    %lt3A = arith.constant 4 : i32
    %lt3A_1 = arith.cmpi slt, %add3A, %lt3A : i32
    %convert_element_type3A = arith.extui %lt3A_1 : i1 to i32
    %cond3A = arith.constant 0 : i32
    %cond3A_2 = arith.cmpi ne, %convert_element_type3A, %cond3A : i32
    scf.if %cond3A_2 {
      "tpu.region"() ({
        %run_scoped3A = tpu.sem_alloc : memref<!tpu.dma_semaphore, #tpu.memory_space<semaphore_mem>>
        %dma_start3A_629 = arith.constant 0 : i32
        %dma_start3A_630 = tpu.memref_slice %arg3[%add3A, %dma_start3A_629] : memref<4x2xi32, #tpu.memory_space<hbm>> -> memref<1x2xi32, #tpu.memory_space<hbm>>
        %dma_start3A_631 = tpu.memref_squeeze %dma_start3A_630 : memref<1x2xi32, #tpu.memory_space<hbm>> -> memref<2xi32, #tpu.memory_space<hbm>>
        %dma_start3A_632 = arith.constant 0 : i32
        %dma_start3A_633 = tpu.memref_slice %arg3[%add3A, %dma_start3A_632] : memref<4x2xi32, #tpu.memory_space<hbm>> -> memref<1x2xi32, #tpu.memory_space<hbm>>
        %dma_start3A_634 = tpu.memref_squeeze %dma_start3A_633 : memref<1x2xi32, #tpu.memory_space<hbm>> -> memref<2xi32, #tpu.memory_space<hbm>>
        tpu.enqueue_dma source(%dma_start3A_634 : memref<2xi32, #tpu.memory_space<hbm>>) target(%arg5 : memref<2xi32, #tpu.memory_space<vmem>>) target_semaphore(%run_scoped3A : memref<!tpu.dma_semaphore, #tpu.memory_space<semaphore_mem>>)
        %dma_wait3A_635 = arith.constant 0 : i32
        %dma_wait3A_636 = tpu.memref_slice %arg3[%add3A, %dma_wait3A_635] : memref<4x2xi32, #tpu.memory_space<hbm>> -> memref<1x2xi32, #tpu.memory_space<hbm>>
        %dma_wait3A_637 = tpu.memref_squeeze %dma_wait3A_636 : memref<1x2xi32, #tpu.memory_space<hbm>> -> memref<2xi32, #tpu.memory_space<hbm>>
        %dma_wait3A_638 = arith.constant 0 : i32
        %dma_wait3A_639 = tpu.memref_slice %arg3[%add3A, %dma_wait3A_638] : memref<4x2xi32, #tpu.memory_space<hbm>> -> memref<1x2xi32, #tpu.memory_space<hbm>>
        %dma_wait3A_640 = tpu.memref_squeeze %dma_wait3A_639 : memref<1x2xi32, #tpu.memory_space<hbm>> -> memref<2xi32, #tpu.memory_space<hbm>>
        tpu.wait_dma2 semaphore(%run_scoped3A : memref<!tpu.dma_semaphore, #tpu.memory_space<semaphore_mem>>) src(%dma_wait3A_640 : memref<2xi32, #tpu.memory_space<hbm>>) dst(%arg5 : memref<2xi32, #tpu.memory_space<vmem>>)
        tpu.yield
      }) : () -> ()
      %dma_start3A = arith.constant 0 : i32
      %dma_start3A_3 = arith.constant 0 : i32
      %dma_start3A_4 = tpu.memref_slice %arg2[%dma_start3A, %dma_start3A_3] : memref<32768x1024xf32, #tpu.memory_space<hbm>> -> memref<32768x1024xf32, #tpu.memory_space<hbm>>
      tpu.enqueue_indirect_dma source(%dma_start3A_4 : memref<32768x1024xf32, #tpu.memory_space<hbm>>) target(%arg6 : memref<2x1024xf32, #tpu.memory_space<vmem>>) offsets(%arg5 : memref<2xi32, #tpu.memory_space<vmem>>) semaphore(%arg8 : memref<!tpu.dma_semaphore, #tpu.memory_space<semaphore_mem>>)
      %dma_wait3A = arith.constant 0 : i32
      %dma_wait3A_5 = arith.constant 0 : i32
      %dma_wait3A_6 = tpu.memref_slice %arg2[%dma_wait3A, %dma_wait3A_5] : memref<32768x1024xf32, #tpu.memory_space<hbm>> -> memref<32768x1024xf32, #tpu.memory_space<hbm>>
      tpu.wait_indirect_dma semaphore(%arg8 : memref<!tpu.dma_semaphore, #tpu.memory_space<semaphore_mem>>) src(%dma_wait3A_6 : memref<32768x1024xf32, #tpu.memory_space<hbm>>) dst(%arg6 : memref<2x1024xf32, #tpu.memory_space<vmem>>)
      %get3A = arith.constant 0 : i32
      %get3A_7 = arith.index_cast %get3A : i32 to index
      %get3A_8 = arith.constant 960 : index
      %get3A_9 = tpu.vector_load %arg6[%get3A_7, %get3A_8] {strides = array<i32>} : memref<2x1024xf32, #tpu.memory_space<vmem>>, vector<1x16xf32>,
      %get3A_10 = vector.shape_cast %get3A_9 : vector<1x16xf32> to vector<16xf32>
      %get3A_11 = arith.constant 0 : i32
      %get3A_12 = arith.index_cast %get3A_11 : i32 to index
      %get3A_13 = arith.constant 976 : index
      %get3A_14 = tpu.vector_load %arg6[%get3A_12, %get3A_13] {strides = array<i32>} : memref<2x1024xf32, #tpu.memory_space<vmem>>, vector<1x16xf32>,
      %get3A_15 = vector.shape_cast %get3A_14 : vector<1x16xf32> to vector<16xf32>
      %get3A_16 = arith.constant 1 : i32
      %get3A_17 = arith.index_cast %get3A_16 : i32 to index
      %get3A_18 = arith.constant 992 : index
      %get3A_19 = tpu.vector_load %arg6[%get3A_17, %get3A_18] {strides = array<i32>} : memref<2x1024xf32, #tpu.memory_space<vmem>>, vector<1x16xf32>,
      %get3A_20 = vector.shape_cast %get3A_19 : vector<1x16xf32> to vector<16xf32>
      %get3A_21 = arith.constant 1 : i32
      %get3A_22 = arith.index_cast %get3A_21 : i32 to index
      %get3A_23 = arith.constant 1008 : index
      %get3A_24 = tpu.vector_load %arg6[%get3A_22, %get3A_23] {strides = array<i32>} : memref<2x1024xf32, #tpu.memory_space<vmem>>, vector<1x16xf32>,
      %get3A_25 = vector.shape_cast %get3A_24 : vector<1x16xf32> to vector<16xf32>
      %mul3A_26 = arith.mulf %get3A_10, %get3A_20 : vector<16xf32>
      %mul3A_27 = arith.mulf %get3A_15, %get3A_25 : vector<16xf32>
      %add3A_28 = arith.addf %mul3A_26, %mul3A_27 : vector<16xf32>
      %slice3A = vector.extract_strided_slice %add3A_28 {offsets = [0], sizes = [1], strides = [1]} : vector<16xf32> to vector<1xf32>
      %squeeze3A = vector.extract %slice3A[0] : f32 from vector<1xf32>
      %slice3A_29 = vector.extract_strided_slice %add3A_28 {offsets = [1], sizes = [1], strides = [1]} : vector<16xf32> to vector<1xf32>
      %squeeze3A_30 = vector.extract %slice3A_29[0] : f32 from vector<1xf32>
      %add3A_31 = arith.addf %squeeze3A, %squeeze3A_30 : f32
      %slice3A_32 = vector.extract_strided_slice %add3A_28 {offsets = [2], sizes = [1], strides = [1]} : vector<16xf32> to vector<1xf32>
      %squeeze3A_33 = vector.extract %slice3A_32[0] : f32 from vector<1xf32>
      %add3A_34 = arith.addf %add3A_31, %squeeze3A_33 : f32
      %slice3A_35 = vector.extract_strided_slice %add3A_28 {offsets = [3], sizes = [1], strides = [1]} : vector<16xf32> to vector<1xf32>
      %squeeze3A_36 = vector.extract %slice3A_35[0] : f32 from vector<1xf32>
      %add3A_37 = arith.addf %add3A_34, %squeeze3A_36 : f32
      %slice3A_38 = vector.extract_strided_slice %add3A_28 {offsets = [4], sizes = [1], strides = [1]} : vector<16xf32> to vector<1xf32>
      %squeeze3A_39 = vector.extract %slice3A_38[0] : f32 from vector<1xf32>
      %add3A_40 = arith.addf %add3A_37, %squeeze3A_39 : f32
      %slice3A_41 = vector.extract_strided_slice %add3A_28 {offsets = [5], sizes = [1], strides = [1]} : vector<16xf32> to vector<1xf32>
      %squeeze3A_42 = vector.extract %slice3A_41[0] : f32 from vector<1xf32>
      %add3A_43 = arith.addf %add3A_40, %squeeze3A_42 : f32
      %slice3A_44 = vector.extract_strided_slice %add3A_28 {offsets = [6], sizes = [1], strides = [1]} : vector<16xf32> to vector<1xf32>
      %squeeze3A_45 = vector.extract %slice3A_44[0] : f32 from vector<1xf32>
      %add3A_46 = arith.addf %add3A_43, %squeeze3A_45 : f32
      %slice3A_47 = vector.extract_strided_slice %add3A_28 {offsets = [7], sizes = [1], strides = [1]} : vector<16xf32> to vector<1xf32>
      %squeeze3A_48 = vector.extract %slice3A_47[0] : f32 from vector<1xf32>
      %add3A_49 = arith.addf %add3A_46, %squeeze3A_48 : f32
      %slice3A_50 = vector.extract_strided_slice %add3A_28 {offsets = [8], sizes = [1], strides = [1]} : vector<16xf32> to vector<1xf32>
      %squeeze3A_51 = vector.extract %slice3A_50[0] : f32 from vector<1xf32>
      %add3A_52 = arith.addf %add3A_49, %squeeze3A_51 : f32
      %slice3A_53 = vector.extract_strided_slice %add3A_28 {offsets = [9], sizes = [1], strides = [1]} : vector<16xf32> to vector<1xf32>
      %squeeze3A_54 = vector.extract %slice3A_53[0] : f32 from vector<1xf32>
      %add3A_55 = arith.addf %add3A_52, %squeeze3A_54 : f32
      %slice3A_56 = vector.extract_strided_slice %add3A_28 {offsets = [10], sizes = [1], strides = [1]} : vector<16xf32> to vector<1xf32>
      %squeeze3A_57 = vector.extract %slice3A_56[0] : f32 from vector<1xf32>
      %add3A_58 = arith.addf %add3A_55, %squeeze3A_57 : f32
      %slice3A_59 = vector.extract_strided_slice %add3A_28 {offsets = [11], sizes = [1], strides = [1]} : vector<16xf32> to vector<1xf32>
      %squeeze3A_60 = vector.extract %slice3A_59[0] : f32 from vector<1xf32>
      %add3A_61 = arith.addf %add3A_58, %squeeze3A_60 : f32
      %slice3A_62 = vector.extract_strided_slice %add3A_28 {offsets = [12], sizes = [1], strides = [1]} : vector<16xf32> to vector<1xf32>
      %squeeze3A_63 = vector.extract %slice3A_62[0] : f32 from vector<1xf32>
      %add3A_64 = arith.addf %add3A_61, %squeeze3A_63 : f32
      %slice3A_65 = vector.extract_strided_slice %add3A_28 {offsets = [13], sizes = [1], strides = [1]} : vector<16xf32> to vector<1xf32>
      %squeeze3A_66 = vector.extract %slice3A_65[0] : f32 from vector<1xf32>
      %add3A_67 = arith.addf %add3A_64, %squeeze3A_66 : f32
      %slice3A_68 = vector.extract_strided_slice %add3A_28 {offsets = [14], sizes = [1], strides = [1]} : vector<16xf32> to vector<1xf32>
      %squeeze3A_69 = vector.extract %slice3A_68[0] : f32 from vector<1xf32>
      %add3A_70 = arith.addf %add3A_67, %squeeze3A_69 : f32
      %slice3A_71 = vector.extract_strided_slice %add3A_28 {offsets = [15], sizes = [1], strides = [1]} : vector<16xf32> to vector<1xf32>
      %squeeze3A_72 = vector.extract %slice3A_71[0] : f32 from vector<1xf32>
      %add3A_73 = arith.addf %add3A_70, %squeeze3A_72 : f32
      %broadcast_in_dim3A = vector.broadcast %add3A_73 : f32 to vector<16xf32>
      %swap3A = arith.constant 945 : index
      %swap3A_74 = tpu.vector_load %arg7[%swap3A] {strides = array<i32>} : memref<961xf32, #tpu.memory_space<vmem>>, vector<16xf32>,
      %swap3A_75 = vector.shape_cast %swap3A_74 : vector<16xf32> to vector<16xf32>
      %swap3A_76 = vector.shape_cast %broadcast_in_dim3A : vector<16xf32> to vector<16xf32>
      tpu.vector_store %arg7[%swap3A], %swap3A_76 {strides = array<i32>} : memref<961xf32, #tpu.memory_space<vmem>>, vector<16xf32>,
      %get3A_77 = arith.constant 0 : i32
      %get3A_78 = arith.index_cast %get3A_77 : i32 to index
      %get3A_79 = arith.constant 0 : index
      %get3A_80 = tpu.vector_load %arg6[%get3A_78, %get3A_79] {strides = array<i32>} : memref<2x1024xf32, #tpu.memory_space<vmem>>, vector<1x16xf32>,
      %get3A_81 = vector.shape_cast %get3A_80 : vector<1x16xf32> to vector<16xf32>
      %swap3A_82 = arith.constant 0 : index
      %swap3A_83 = tpu.vector_load %arg7[%swap3A_82] {strides = array<i32>} : memref<961xf32, #tpu.memory_space<vmem>>, vector<16xf32>,
      %swap3A_84 = vector.shape_cast %swap3A_83 : vector<16xf32> to vector<16xf32>
      %swap3A_85 = vector.shape_cast %get3A_81 : vector<16xf32> to vector<16xf32>
      tpu.vector_store %arg7[%swap3A_82], %swap3A_85 {strides = array<i32>} : memref<961xf32, #tpu.memory_space<vmem>>, vector<16xf32>,
      %get3A_86 = arith.constant 0 : i32
      %get3A_87 = arith.index_cast %get3A_86 : i32 to index
      %get3A_88 = arith.constant 16 : index
      %get3A_89 = tpu.vector_load %arg6[%get3A_87, %get3A_88] {strides = array<i32>} : memref<2x1024xf32, #tpu.memory_space<vmem>>, vector<1x16xf32>,
      %get3A_90 = vector.shape_cast %get3A_89 : vector<1x16xf32> to vector<16xf32>
      %swap3A_91 = arith.constant 16 : index
      %swap3A_92 = tpu.vector_load %arg7[%swap3A_91] {strides = array<i32>} : memref<961xf32, #tpu.memory_space<vmem>>, vector<16xf32>,
      %swap3A_93 = vector.shape_cast %swap3A_92 : vector<16xf32> to vector<16xf32>
      %swap3A_94 = vector.shape_cast %get3A_90 : vector<16xf32> to vector<16xf32>
      tpu.vector_store %arg7[%swap3A_91], %swap3A_94 {strides = array<i32>} : memref<961xf32, #tpu.memory_space<vmem>>, vector<16xf32>,
      %get3A_95 = arith.constant 0 : i32
      %get3A_96 = arith.index_cast %get3A_95 : i32 to index
      %get3A_97 = arith.constant 32 : index
      %get3A_98 = tpu.vector_load %arg6[%get3A_96, %get3A_97] {strides = array<i32>} : memref<2x1024xf32, #tpu.memory_space<vmem>>, vector<1x16xf32>,
      %get3A_99 = vector.shape_cast %get3A_98 : vector<1x16xf32> to vector<16xf32>
      %swap3A_100 = arith.constant 32 : index
      %swap3A_101 = tpu.vector_load %arg7[%swap3A_100] {strides = array<i32>} : memref<961xf32, #tpu.memory_space<vmem>>, vector<16xf32>,
      %swap3A_102 = vector.shape_cast %swap3A_101 : vector<16xf32> to vector<16xf32>
      %swap3A_103 = vector.shape_cast %get3A_99 : vector<16xf32> to vector<16xf32>
      tpu.vector_store %arg7[%swap3A_100], %swap3A_103 {strides = array<i32>} : memref<961xf32, #tpu.memory_space<vmem>>, vector<16xf32>,
      %get3A_104 = arith.constant 0 : i32
      %get3A_105 = arith.index_cast %get3A_104 : i32 to index
      %get3A_106 = arith.constant 48 : index
      %get3A_107 = tpu.vector_load %arg6[%get3A_105, %get3A_106] {strides = array<i32>} : memref<2x1024xf32, #tpu.memory_space<vmem>>, vector<1x16xf32>,
      %get3A_108 = vector.shape_cast %get3A_107 : vector<1x16xf32> to vector<16xf32>
      %swap3A_109 = arith.constant 48 : index
      %swap3A_110 = tpu.vector_load %arg7[%swap3A_109] {strides = array<i32>} : memref<961xf32, #tpu.memory_space<vmem>>, vector<16xf32>,
      %swap3A_111 = vector.shape_cast %swap3A_110 : vector<16xf32> to vector<16xf32>
      %swap3A_112 = vector.shape_cast %get3A_108 : vector<16xf32> to vector<16xf32>
      tpu.vector_store %arg7[%swap3A_109], %swap3A_112 {strides = array<i32>} : memref<961xf32, #tpu.memory_space<vmem>>, vector<16xf32>,
      %get3A_113 = arith.constant 0 : i32
      %get3A_114 = arith.index_cast %get3A_113 : i32 to index
      %get3A_115 = arith.constant 64 : index
      %get3A_116 = tpu.vector_load %arg6[%get3A_114, %get3A_115] {strides = array<i32>} : memref<2x1024xf32, #tpu.memory_space<vmem>>, vector<1x16xf32>,
      %get3A_117 = vector.shape_cast %get3A_116 : vector<1x16xf32> to vector<16xf32>
      %swap3A_118 = arith.constant 64 : index
      %swap3A_119 = tpu.vector_load %arg7[%swap3A_118] {strides = array<i32>} : memref<961xf32, #tpu.memory_space<vmem>>, vector<16xf32>,
      %swap3A_120 = vector.shape_cast %swap3A_119 : vector<16xf32> to vector<16xf32>
      %swap3A_121 = vector.shape_cast %get3A_117 : vector<16xf32> to vector<16xf32>
      tpu.vector_store %arg7[%swap3A_118], %swap3A_121 {strides = array<i32>} : memref<961xf32, #tpu.memory_space<vmem>>, vector<16xf32>,
      %get3A_122 = arith.constant 0 : i32
      %get3A_123 = arith.index_cast %get3A_122 : i32 to index
      %get3A_124 = arith.constant 80 : index
      %get3A_125 = tpu.vector_load %arg6[%get3A_123, %get3A_124] {strides = array<i32>} : memref<2x1024xf32, #tpu.memory_space<vmem>>, vector<1x16xf32>,
      %get3A_126 = vector.shape_cast %get3A_125 : vector<1x16xf32> to vector<16xf32>
      %swap3A_127 = arith.constant 80 : index
      %swap3A_128 = tpu.vector_load %arg7[%swap3A_127] {strides = array<i32>} : memref<961xf32, #tpu.memory_space<vmem>>, vector<16xf32>,
      %swap3A_129 = vector.shape_cast %swap3A_128 : vector<16xf32> to vector<16xf32>
      %swap3A_130 = vector.shape_cast %get3A_126 : vector<16xf32> to vector<16xf32>
      tpu.vector_store %arg7[%swap3A_127], %swap3A_130 {strides = array<i32>} : memref<961xf32, #tpu.memory_space<vmem>>, vector<16xf32>,
      %get3A_131 = arith.constant 0 : i32
      %get3A_132 = arith.index_cast %get3A_131 : i32 to index
      %get3A_133 = arith.constant 96 : index
      %get3A_134 = tpu.vector_load %arg6[%get3A_132, %get3A_133] {strides = array<i32>} : memref<2x1024xf32, #tpu.memory_space<vmem>>, vector<1x16xf32>,
      %get3A_135 = vector.shape_cast %get3A_134 : vector<1x16xf32> to vector<16xf32>
      %swap3A_136 = arith.constant 96 : index
      %swap3A_137 = tpu.vector_load %arg7[%swap3A_136] {strides = array<i32>} : memref<961xf32, #tpu.memory_space<vmem>>, vector<16xf32>,
      %swap3A_138 = vector.shape_cast %swap3A_137 : vector<16xf32> to vector<16xf32>
      %swap3A_139 = vector.shape_cast %get3A_135 : vector<16xf32> to vector<16xf32>
      tpu.vector_store %arg7[%swap3A_136], %swap3A_139 {strides = array<i32>} : memref<961xf32, #tpu.memory_space<vmem>>, vector<16xf32>,
      %get3A_140 = arith.constant 0 : i32
      %get3A_141 = arith.index_cast %get3A_140 : i32 to index
      %get3A_142 = arith.constant 112 : index
      %get3A_143 = tpu.vector_load %arg6[%get3A_141, %get3A_142] {strides = array<i32>} : memref<2x1024xf32, #tpu.memory_space<vmem>>, vector<1x16xf32>,
      %get3A_144 = vector.shape_cast %get3A_143 : vector<1x16xf32> to vector<16xf32>
      %swap3A_145 = arith.constant 112 : index
      %swap3A_146 = tpu.vector_load %arg7[%swap3A_145] {strides = array<i32>} : memref<961xf32, #tpu.memory_space<vmem>>, vector<16xf32>,
      %swap3A_147 = vector.shape_cast %swap3A_146 : vector<16xf32> to vector<16xf32>
      %swap3A_148 = vector.shape_cast %get3A_144 : vector<16xf32> to vector<16xf32>
      tpu.vector_store %arg7[%swap3A_145], %swap3A_148 {strides = array<i32>} : memref<961xf32, #tpu.memory_space<vmem>>, vector<16xf32>,
      %get3A_149 = arith.constant 0 : i32
      %get3A_150 = arith.index_cast %get3A_149 : i32 to index
      %get3A_151 = arith.constant 128 : index
      %get3A_152 = tpu.vector_load %arg6[%get3A_150, %get3A_151] {strides = array<i32>} : memref<2x1024xf32, #tpu.memory_space<vmem>>, vector<1x16xf32>,
      %get3A_153 = vector.shape_cast %get3A_152 : vector<1x16xf32> to vector<16xf32>
      %swap3A_154 = arith.constant 128 : index
      %swap3A_155 = tpu.vector_load %arg7[%swap3A_154] {strides = array<i32>} : memref<961xf32, #tpu.memory_space<vmem>>, vector<16xf32>,
      %swap3A_156 = vector.shape_cast %swap3A_155 : vector<16xf32> to vector<16xf32>
      %swap3A_157 = vector.shape_cast %get3A_153 : vector<16xf32> to vector<16xf32>
      tpu.vector_store %arg7[%swap3A_154], %swap3A_157 {strides = array<i32>} : memref<961xf32, #tpu.memory_space<vmem>>, vector<16xf32>,
      %get3A_158 = arith.constant 0 : i32
      %get3A_159 = arith.index_cast %get3A_158 : i32 to index
      %get3A_160 = arith.constant 144 : index
      %get3A_161 = tpu.vector_load %arg6[%get3A_159, %get3A_160] {strides = array<i32>} : memref<2x1024xf32, #tpu.memory_space<vmem>>, vector<1x16xf32>,
      %get3A_162 = vector.shape_cast %get3A_161 : vector<1x16xf32> to vector<16xf32>
      %swap3A_163 = arith.constant 144 : index
      %swap3A_164 = tpu.vector_load %arg7[%swap3A_163] {strides = array<i32>} : memref<961xf32, #tpu.memory_space<vmem>>, vector<16xf32>,
      %swap3A_165 = vector.shape_cast %swap3A_164 : vector<16xf32> to vector<16xf32>
      %swap3A_166 = vector.shape_cast %get3A_162 : vector<16xf32> to vector<16xf32>
      tpu.vector_store %arg7[%swap3A_163], %swap3A_166 {strides = array<i32>} : memref<961xf32, #tpu.memory_space<vmem>>, vector<16xf32>,
      %get3A_167 = arith.constant 0 : i32
      %get3A_168 = arith.index_cast %get3A_167 : i32 to index
      %get3A_169 = arith.constant 160 : index
      %get3A_170 = tpu.vector_load %arg6[%get3A_168, %get3A_169] {strides = array<i32>} : memref<2x1024xf32, #tpu.memory_space<vmem>>, vector<1x16xf32>,
      %get3A_171 = vector.shape_cast %get3A_170 : vector<1x16xf32> to vector<16xf32>
      %swap3A_172 = arith.constant 160 : index
      %swap3A_173 = tpu.vector_load %arg7[%swap3A_172] {strides = array<i32>} : memref<961xf32, #tpu.memory_space<vmem>>, vector<16xf32>,
      %swap3A_174 = vector.shape_cast %swap3A_173 : vector<16xf32> to vector<16xf32>
      %swap3A_175 = vector.shape_cast %get3A_171 : vector<16xf32> to vector<16xf32>
      tpu.vector_store %arg7[%swap3A_172], %swap3A_175 {strides = array<i32>} : memref<961xf32, #tpu.memory_space<vmem>>, vector<16xf32>,
      %get3A_176 = arith.constant 0 : i32
      %get3A_177 = arith.index_cast %get3A_176 : i32 to index
      %get3A_178 = arith.constant 176 : index
      %get3A_179 = tpu.vector_load %arg6[%get3A_177, %get3A_178] {strides = array<i32>} : memref<2x1024xf32, #tpu.memory_space<vmem>>, vector<1x16xf32>,
      %get3A_180 = vector.shape_cast %get3A_179 : vector<1x16xf32> to vector<16xf32>
      %swap3A_181 = arith.constant 176 : index
      %swap3A_182 = tpu.vector_load %arg7[%swap3A_181] {strides = array<i32>} : memref<961xf32, #tpu.memory_space<vmem>>, vector<16xf32>,
      %swap3A_183 = vector.shape_cast %swap3A_182 : vector<16xf32> to vector<16xf32>
      %swap3A_184 = vector.shape_cast %get3A_180 : vector<16xf32> to vector<16xf32>
      tpu.vector_store %arg7[%swap3A_181], %swap3A_184 {strides = array<i32>} : memref<961xf32, #tpu.memory_space<vmem>>, vector<16xf32>,
      %get3A_185 = arith.constant 0 : i32
      %get3A_186 = arith.index_cast %get3A_185 : i32 to index
      %get3A_187 = arith.constant 192 : index
      %get3A_188 = tpu.vector_load %arg6[%get3A_186, %get3A_187] {strides = array<i32>} : memref<2x1024xf32, #tpu.memory_space<vmem>>, vector<1x16xf32>,
      %get3A_189 = vector.shape_cast %get3A_188 : vector<1x16xf32> to vector<16xf32>
      %swap3A_190 = arith.constant 192 : index
      %swap3A_191 = tpu.vector_load %arg7[%swap3A_190] {strides = array<i32>} : memref<961xf32, #tpu.memory_space<vmem>>, vector<16xf32>,
      %swap3A_192 = vector.shape_cast %swap3A_191 : vector<16xf32> to vector<16xf32>
      %swap3A_193 = vector.shape_cast %get3A_189 : vector<16xf32> to vector<16xf32>
      tpu.vector_store %arg7[%swap3A_190], %swap3A_193 {strides = array<i32>} : memref<961xf32, #tpu.memory_space<vmem>>, vector<16xf32>,
      %get3A_194 = arith.constant 0 : i32
      %get3A_195 = arith.index_cast %get3A_194 : i32 to index
      %get3A_196 = arith.constant 208 : index
      %get3A_197 = tpu.vector_load %arg6[%get3A_195, %get3A_196] {strides = array<i32>} : memref<2x1024xf32, #tpu.memory_space<vmem>>, vector<1x16xf32>,
      %get3A_198 = vector.shape_cast %get3A_197 : vector<1x16xf32> to vector<16xf32>
      %swap3A_199 = arith.constant 208 : index
      %swap3A_200 = tpu.vector_load %arg7[%swap3A_199] {strides = array<i32>} : memref<961xf32, #tpu.memory_space<vmem>>, vector<16xf32>,
      %swap3A_201 = vector.shape_cast %swap3A_200 : vector<16xf32> to vector<16xf32>
      %swap3A_202 = vector.shape_cast %get3A_198 : vector<16xf32> to vector<16xf32>
      tpu.vector_store %arg7[%swap3A_199], %swap3A_202 {strides = array<i32>} : memref<961xf32, #tpu.memory_space<vmem>>, vector<16xf32>,
      %get3A_203 = arith.constant 0 : i32
      %get3A_204 = arith.index_cast %get3A_203 : i32 to index
      %get3A_205 = arith.constant 224 : index
      %get3A_206 = tpu.vector_load %arg6[%get3A_204, %get3A_205] {strides = array<i32>} : memref<2x1024xf32, #tpu.memory_space<vmem>>, vector<1x16xf32>,
      %get3A_207 = vector.shape_cast %get3A_206 : vector<1x16xf32> to vector<16xf32>
      %swap3A_208 = arith.constant 224 : index
      %swap3A_209 = tpu.vector_load %arg7[%swap3A_208] {strides = array<i32>} : memref<961xf32, #tpu.memory_space<vmem>>, vector<16xf32>,
      %swap3A_210 = vector.shape_cast %swap3A_209 : vector<16xf32> to vector<16xf32>
      %swap3A_211 = vector.shape_cast %get3A_207 : vector<16xf32> to vector<16xf32>
      tpu.vector_store %arg7[%swap3A_208], %swap3A_211 {strides = array<i32>} : memref<961xf32, #tpu.memory_space<vmem>>, vector<16xf32>,
      %get3A_212 = arith.constant 0 : i32
      %get3A_213 = arith.index_cast %get3A_212 : i32 to index
      %get3A_214 = arith.constant 240 : index
      %get3A_215 = tpu.vector_load %arg6[%get3A_213, %get3A_214] {strides = array<i32>} : memref<2x1024xf32, #tpu.memory_space<vmem>>, vector<1x16xf32>,
      %get3A_216 = vector.shape_cast %get3A_215 : vector<1x16xf32> to vector<16xf32>
      %swap3A_217 = arith.constant 240 : index
      %swap3A_218 = tpu.vector_load %arg7[%swap3A_217] {strides = array<i32>} : memref<961xf32, #tpu.memory_space<vmem>>, vector<16xf32>,
      %swap3A_219 = vector.shape_cast %swap3A_218 : vector<16xf32> to vector<16xf32>
      %swap3A_220 = vector.shape_cast %get3A_216 : vector<16xf32> to vector<16xf32>
      tpu.vector_store %arg7[%swap3A_217], %swap3A_220 {strides = array<i32>} : memref<961xf32, #tpu.memory_space<vmem>>, vector<16xf32>,
      %get3A_221 = arith.constant 0 : i32
      %get3A_222 = arith.index_cast %get3A_221 : i32 to index
      %get3A_223 = arith.constant 256 : index
      %get3A_224 = tpu.vector_load %arg6[%get3A_222, %get3A_223] {strides = array<i32>} : memref<2x1024xf32, #tpu.memory_space<vmem>>, vector<1x16xf32>,
      %get3A_225 = vector.shape_cast %get3A_224 : vector<1x16xf32> to vector<16xf32>
      %swap3A_226 = arith.constant 256 : index
      %swap3A_227 = tpu.vector_load %arg7[%swap3A_226] {strides = array<i32>} : memref<961xf32, #tpu.memory_space<vmem>>, vector<16xf32>,
      %swap3A_228 = vector.shape_cast %swap3A_227 : vector<16xf32> to vector<16xf32>
      %swap3A_229 = vector.shape_cast %get3A_225 : vector<16xf32> to vector<16xf32>
      tpu.vector_store %arg7[%swap3A_226], %swap3A_229 {strides = array<i32>} : memref<961xf32, #tpu.memory_space<vmem>>, vector<16xf32>,
      %get3A_230 = arith.constant 0 : i32
      %get3A_231 = arith.index_cast %get3A_230 : i32 to index
      %get3A_232 = arith.constant 272 : index
      %get3A_233 = tpu.vector_load %arg6[%get3A_231, %get3A_232] {strides = array<i32>} : memref<2x1024xf32, #tpu.memory_space<vmem>>, vector<1x16xf32>,
      %get3A_234 = vector.shape_cast %get3A_233 : vector<1x16xf32> to vector<16xf32>
      %swap3A_235 = arith.constant 272 : index
      %swap3A_236 = tpu.vector_load %arg7[%swap3A_235] {strides = array<i32>} : memref<961xf32, #tpu.memory_space<vmem>>, vector<16xf32>,
      %swap3A_237 = vector.shape_cast %swap3A_236 : vector<16xf32> to vector<16xf32>
      %swap3A_238 = vector.shape_cast %get3A_234 : vector<16xf32> to vector<16xf32>
      tpu.vector_store %arg7[%swap3A_235], %swap3A_238 {strides = array<i32>} : memref<961xf32, #tpu.memory_space<vmem>>, vector<16xf32>,
      %get3A_239 = arith.constant 0 : i32
      %get3A_240 = arith.index_cast %get3A_239 : i32 to index
      %get3A_241 = arith.constant 288 : index
      %get3A_242 = tpu.vector_load %arg6[%get3A_240, %get3A_241] {strides = array<i32>} : memref<2x1024xf32, #tpu.memory_space<vmem>>, vector<1x16xf32>,
      %get3A_243 = vector.shape_cast %get3A_242 : vector<1x16xf32> to vector<16xf32>
      %swap3A_244 = arith.constant 288 : index
      %swap3A_245 = tpu.vector_load %arg7[%swap3A_244] {strides = array<i32>} : memref<961xf32, #tpu.memory_space<vmem>>, vector<16xf32>,
      %swap3A_246 = vector.shape_cast %swap3A_245 : vector<16xf32> to vector<16xf32>
      %swap3A_247 = vector.shape_cast %get3A_243 : vector<16xf32> to vector<16xf32>
      tpu.vector_store %arg7[%swap3A_244], %swap3A_247 {strides = array<i32>} : memref<961xf32, #tpu.memory_space<vmem>>, vector<16xf32>,
      %get3A_248 = arith.constant 0 : i32
      %get3A_249 = arith.index_cast %get3A_248 : i32 to index
      %get3A_250 = arith.constant 304 : index
      %get3A_251 = tpu.vector_load %arg6[%get3A_249, %get3A_250] {strides = array<i32>} : memref<2x1024xf32, #tpu.memory_space<vmem>>, vector<1x16xf32>,
      %get3A_252 = vector.shape_cast %get3A_251 : vector<1x16xf32> to vector<16xf32>
      %swap3A_253 = arith.constant 304 : index
      %swap3A_254 = tpu.vector_load %arg7[%swap3A_253] {strides = array<i32>} : memref<961xf32, #tpu.memory_space<vmem>>, vector<16xf32>,
      %swap3A_255 = vector.shape_cast %swap3A_254 : vector<16xf32> to vector<16xf32>
      %swap3A_256 = vector.shape_cast %get3A_252 : vector<16xf32> to vector<16xf32>
      tpu.vector_store %arg7[%swap3A_253], %swap3A_256 {strides = array<i32>} : memref<961xf32, #tpu.memory_space<vmem>>, vector<16xf32>,
      %get3A_257 = arith.constant 0 : i32
      %get3A_258 = arith.index_cast %get3A_257 : i32 to index
      %get3A_259 = arith.constant 320 : index
      %get3A_260 = tpu.vector_load %arg6[%get3A_258, %get3A_259] {strides = array<i32>} : memref<2x1024xf32, #tpu.memory_space<vmem>>, vector<1x16xf32>,
      %get3A_261 = vector.shape_cast %get3A_260 : vector<1x16xf32> to vector<16xf32>
      %swap3A_262 = arith.constant 320 : index
      %swap3A_263 = tpu.vector_load %arg7[%swap3A_262] {strides = array<i32>} : memref<961xf32, #tpu.memory_space<vmem>>, vector<16xf32>,
      %swap3A_264 = vector.shape_cast %swap3A_263 : vector<16xf32> to vector<16xf32>
      %swap3A_265 = vector.shape_cast %get3A_261 : vector<16xf32> to vector<16xf32>
      tpu.vector_store %arg7[%swap3A_262], %swap3A_265 {strides = array<i32>} : memref<961xf32, #tpu.memory_space<vmem>>, vector<16xf32>,
      %get3A_266 = arith.constant 0 : i32
      %get3A_267 = arith.index_cast %get3A_266 : i32 to index
      %get3A_268 = arith.constant 336 : index
      %get3A_269 = tpu.vector_load %arg6[%get3A_267, %get3A_268] {strides = array<i32>} : memref<2x1024xf32, #tpu.memory_space<vmem>>, vector<1x16xf32>,
      %get3A_270 = vector.shape_cast %get3A_269 : vector<1x16xf32> to vector<16xf32>
      %swap3A_271 = arith.constant 336 : index
      %swap3A_272 = tpu.vector_load %arg7[%swap3A_271] {strides = array<i32>} : memref<961xf32, #tpu.memory_space<vmem>>, vector<16xf32>,
      %swap3A_273 = vector.shape_cast %swap3A_272 : vector<16xf32> to vector<16xf32>
      %swap3A_274 = vector.shape_cast %get3A_270 : vector<16xf32> to vector<16xf32>
      tpu.vector_store %arg7[%swap3A_271], %swap3A_274 {strides = array<i32>} : memref<961xf32, #tpu.memory_space<vmem>>, vector<16xf32>,
      %get3A_275 = arith.constant 0 : i32
      %get3A_276 = arith.index_cast %get3A_275 : i32 to index
      %get3A_277 = arith.constant 352 : index
      %get3A_278 = tpu.vector_load %arg6[%get3A_276, %get3A_277] {strides = array<i32>} : memref<2x1024xf32, #tpu.memory_space<vmem>>, vector<1x16xf32>,
      %get3A_279 = vector.shape_cast %get3A_278 : vector<1x16xf32> to vector<16xf32>
      %swap3A_280 = arith.constant 352 : index
      %swap3A_281 = tpu.vector_load %arg7[%swap3A_280] {strides = array<i32>} : memref<961xf32, #tpu.memory_space<vmem>>, vector<16xf32>,
      %swap3A_282 = vector.shape_cast %swap3A_281 : vector<16xf32> to vector<16xf32>
      %swap3A_283 = vector.shape_cast %get3A_279 : vector<16xf32> to vector<16xf32>
      tpu.vector_store %arg7[%swap3A_280], %swap3A_283 {strides = array<i32>} : memref<961xf32, #tpu.memory_space<vmem>>, vector<16xf32>,
      %get3A_284 = arith.constant 0 : i32
      %get3A_285 = arith.index_cast %get3A_284 : i32 to index
      %get3A_286 = arith.constant 368 : index
      %get3A_287 = tpu.vector_load %arg6[%get3A_285, %get3A_286] {strides = array<i32>} : memref<2x1024xf32, #tpu.memory_space<vmem>>, vector<1x16xf32>,
      %get3A_288 = vector.shape_cast %get3A_287 : vector<1x16xf32> to vector<16xf32>
      %swap3A_289 = arith.constant 368 : index
      %swap3A_290 = tpu.vector_load %arg7[%swap3A_289] {strides = array<i32>} : memref<961xf32, #tpu.memory_space<vmem>>, vector<16xf32>,
      %swap3A_291 = vector.shape_cast %swap3A_290 : vector<16xf32> to vector<16xf32>
      %swap3A_292 = vector.shape_cast %get3A_288 : vector<16xf32> to vector<16xf32>
      tpu.vector_store %arg7[%swap3A_289], %swap3A_292 {strides = array<i32>} : memref<961xf32, #tpu.memory_space<vmem>>, vector<16xf32>,
      %get3A_293 = arith.constant 0 : i32
      %get3A_294 = arith.index_cast %get3A_293 : i32 to index
      %get3A_295 = arith.constant 384 : index
      %get3A_296 = tpu.vector_load %arg6[%get3A_294, %get3A_295] {strides = array<i32>} : memref<2x1024xf32, #tpu.memory_space<vmem>>, vector<1x16xf32>,
      %get3A_297 = vector.shape_cast %get3A_296 : vector<1x16xf32> to vector<16xf32>
      %swap3A_298 = arith.constant 384 : index
      %swap3A_299 = tpu.vector_load %arg7[%swap3A_298] {strides = array<i32>} : memref<961xf32, #tpu.memory_space<vmem>>, vector<16xf32>,
      %swap3A_300 = vector.shape_cast %swap3A_299 : vector<16xf32> to vector<16xf32>
      %swap3A_301 = vector.shape_cast %get3A_297 : vector<16xf32> to vector<16xf32>
      tpu.vector_store %arg7[%swap3A_298], %swap3A_301 {strides = array<i32>} : memref<961xf32, #tpu.memory_space<vmem>>, vector<16xf32>,
      %get3A_302 = arith.constant 0 : i32
      %get3A_303 = arith.index_cast %get3A_302 : i32 to index
      %get3A_304 = arith.constant 400 : index
      %get3A_305 = tpu.vector_load %arg6[%get3A_303, %get3A_304] {strides = array<i32>} : memref<2x1024xf32, #tpu.memory_space<vmem>>, vector<1x16xf32>,
      %get3A_306 = vector.shape_cast %get3A_305 : vector<1x16xf32> to vector<16xf32>
      %swap3A_307 = arith.constant 400 : index
      %swap3A_308 = tpu.vector_load %arg7[%swap3A_307] {strides = array<i32>} : memref<961xf32, #tpu.memory_space<vmem>>, vector<16xf32>,
      %swap3A_309 = vector.shape_cast %swap3A_308 : vector<16xf32> to vector<16xf32>
      %swap3A_310 = vector.shape_cast %get3A_306 : vector<16xf32> to vector<16xf32>
      tpu.vector_store %arg7[%swap3A_307], %swap3A_310 {strides = array<i32>} : memref<961xf32, #tpu.memory_space<vmem>>, vector<16xf32>,
      %get3A_311 = arith.constant 0 : i32
      %get3A_312 = arith.index_cast %get3A_311 : i32 to index
      %get3A_313 = arith.constant 416 : index
      %get3A_314 = tpu.vector_load %arg6[%get3A_312, %get3A_313] {strides = array<i32>} : memref<2x1024xf32, #tpu.memory_space<vmem>>, vector<1x16xf32>,
      %get3A_315 = vector.shape_cast %get3A_314 : vector<1x16xf32> to vector<16xf32>
      %swap3A_316 = arith.constant 416 : index
      %swap3A_317 = tpu.vector_load %arg7[%swap3A_316] {strides = array<i32>} : memref<961xf32, #tpu.memory_space<vmem>>, vector<16xf32>,
      %swap3A_318 = vector.shape_cast %swap3A_317 : vector<16xf32> to vector<16xf32>
      %swap3A_319 = vector.shape_cast %get3A_315 : vector<16xf32> to vector<16xf32>
      tpu.vector_store %arg7[%swap3A_316], %swap3A_319 {strides = array<i32>} : memref<961xf32, #tpu.memory_space<vmem>>, vector<16xf32>,
      %get3A_320 = arith.constant 0 : i32
      %get3A_321 = arith.index_cast %get3A_320 : i32 to index
      %get3A_322 = arith.constant 432 : index
      %get3A_323 = tpu.vector_load %arg6[%get3A_321, %get3A_322] {strides = array<i32>} : memref<2x1024xf32, #tpu.memory_space<vmem>>, vector<1x16xf32>,
      %get3A_324 = vector.shape_cast %get3A_323 : vector<1x16xf32> to vector<16xf32>
      %swap3A_325 = arith.constant 432 : index
      %swap3A_326 = tpu.vector_load %arg7[%swap3A_325] {strides = array<i32>} : memref<961xf32, #tpu.memory_space<vmem>>, vector<16xf32>,
      %swap3A_327 = vector.shape_cast %swap3A_326 : vector<16xf32> to vector<16xf32>
      %swap3A_328 = vector.shape_cast %get3A_324 : vector<16xf32> to vector<16xf32>
      tpu.vector_store %arg7[%swap3A_325], %swap3A_328 {strides = array<i32>} : memref<961xf32, #tpu.memory_space<vmem>>, vector<16xf32>,
      %get3A_329 = arith.constant 0 : i32
      %get3A_330 = arith.index_cast %get3A_329 : i32 to index
      %get3A_331 = arith.constant 448 : index
      %get3A_332 = tpu.vector_load %arg6[%get3A_330, %get3A_331] {strides = array<i32>} : memref<2x1024xf32, #tpu.memory_space<vmem>>, vector<1x16xf32>,
      %get3A_333 = vector.shape_cast %get3A_332 : vector<1x16xf32> to vector<16xf32>
      %swap3A_334 = arith.constant 448 : index
      %swap3A_335 = tpu.vector_load %arg7[%swap3A_334] {strides = array<i32>} : memref<961xf32, #tpu.memory_space<vmem>>, vector<16xf32>,
      %swap3A_336 = vector.shape_cast %swap3A_335 : vector<16xf32> to vector<16xf32>
      %swap3A_337 = vector.shape_cast %get3A_333 : vector<16xf32> to vector<16xf32>
      tpu.vector_store %arg7[%swap3A_334], %swap3A_337 {strides = array<i32>} : memref<961xf32, #tpu.memory_space<vmem>>, vector<16xf32>,
      %get3A_338 = arith.constant 0 : i32
      %get3A_339 = arith.index_cast %get3A_338 : i32 to index
      %get3A_340 = arith.constant 464 : index
      %get3A_341 = tpu.vector_load %arg6[%get3A_339, %get3A_340] {strides = array<i32>} : memref<2x1024xf32, #tpu.memory_space<vmem>>, vector<1x16xf32>,
      %get3A_342 = vector.shape_cast %get3A_341 : vector<1x16xf32> to vector<16xf32>
      %swap3A_343 = arith.constant 464 : index
      %swap3A_344 = tpu.vector_load %arg7[%swap3A_343] {strides = array<i32>} : memref<961xf32, #tpu.memory_space<vmem>>, vector<16xf32>,
      %swap3A_345 = vector.shape_cast %swap3A_344 : vector<16xf32> to vector<16xf32>
      %swap3A_346 = vector.shape_cast %get3A_342 : vector<16xf32> to vector<16xf32>
      tpu.vector_store %arg7[%swap3A_343], %swap3A_346 {strides = array<i32>} : memref<961xf32, #tpu.memory_space<vmem>>, vector<16xf32>,
      %get3A_347 = arith.constant 1 : i32
      %get3A_348 = arith.index_cast %get3A_347 : i32 to index
      %get3A_349 = arith.constant 480 : index
      %get3A_350 = tpu.vector_load %arg6[%get3A_348, %get3A_349] {strides = array<i32>} : memref<2x1024xf32, #tpu.memory_space<vmem>>, vector<1x16xf32>,
      %get3A_351 = vector.shape_cast %get3A_350 : vector<1x16xf32> to vector<16xf32>
      %swap3A_352 = arith.constant 480 : index
      %swap3A_353 = tpu.vector_load %arg7[%swap3A_352] {strides = array<i32>} : memref<961xf32, #tpu.memory_space<vmem>>, vector<16xf32>,
      %swap3A_354 = vector.shape_cast %swap3A_353 : vector<16xf32> to vector<16xf32>
      %swap3A_355 = vector.shape_cast %get3A_351 : vector<16xf32> to vector<16xf32>
      tpu.vector_store %arg7[%swap3A_352], %swap3A_355 {strides = array<i32>} : memref<961xf32, #tpu.memory_space<vmem>>, vector<16xf32>,
      %get3A_356 = arith.constant 1 : i32
      %get3A_357 = arith.index_cast %get3A_356 : i32 to index
      %get3A_358 = arith.constant 496 : index
      %get3A_359 = tpu.vector_load %arg6[%get3A_357, %get3A_358] {strides = array<i32>} : memref<2x1024xf32, #tpu.memory_space<vmem>>, vector<1x16xf32>,
      %get3A_360 = vector.shape_cast %get3A_359 : vector<1x16xf32> to vector<16xf32>
      %swap3A_361 = arith.constant 496 : index
      %swap3A_362 = tpu.vector_load %arg7[%swap3A_361] {strides = array<i32>} : memref<961xf32, #tpu.memory_space<vmem>>, vector<16xf32>,
      %swap3A_363 = vector.shape_cast %swap3A_362 : vector<16xf32> to vector<16xf32>
      %swap3A_364 = vector.shape_cast %get3A_360 : vector<16xf32> to vector<16xf32>
      tpu.vector_store %arg7[%swap3A_361], %swap3A_364 {strides = array<i32>} : memref<961xf32, #tpu.memory_space<vmem>>, vector<16xf32>,
      %get3A_365 = arith.constant 1 : i32
      %get3A_366 = arith.index_cast %get3A_365 : i32 to index
      %get3A_367 = arith.constant 512 : index
      %get3A_368 = tpu.vector_load %arg6[%get3A_366, %get3A_367] {strides = array<i32>} : memref<2x1024xf32, #tpu.memory_space<vmem>>, vector<1x16xf32>,
      %get3A_369 = vector.shape_cast %get3A_368 : vector<1x16xf32> to vector<16xf32>
      %swap3A_370 = arith.constant 512 : index
      %swap3A_371 = tpu.vector_load %arg7[%swap3A_370] {strides = array<i32>} : memref<961xf32, #tpu.memory_space<vmem>>, vector<16xf32>,
      %swap3A_372 = vector.shape_cast %swap3A_371 : vector<16xf32> to vector<16xf32>
      %swap3A_373 = vector.shape_cast %get3A_369 : vector<16xf32> to vector<16xf32>
      tpu.vector_store %arg7[%swap3A_370], %swap3A_373 {strides = array<i32>} : memref<961xf32, #tpu.memory_space<vmem>>, vector<16xf32>,
      %get3A_374 = arith.constant 1 : i32
      %get3A_375 = arith.index_cast %get3A_374 : i32 to index
      %get3A_376 = arith.constant 528 : index
      %get3A_377 = tpu.vector_load %arg6[%get3A_375, %get3A_376] {strides = array<i32>} : memref<2x1024xf32, #tpu.memory_space<vmem>>, vector<1x16xf32>,
      %get3A_378 = vector.shape_cast %get3A_377 : vector<1x16xf32> to vector<16xf32>
      %swap3A_379 = arith.constant 528 : index
      %swap3A_380 = tpu.vector_load %arg7[%swap3A_379] {strides = array<i32>} : memref<961xf32, #tpu.memory_space<vmem>>, vector<16xf32>,
      %swap3A_381 = vector.shape_cast %swap3A_380 : vector<16xf32> to vector<16xf32>
      %swap3A_382 = vector.shape_cast %get3A_378 : vector<16xf32> to vector<16xf32>
      tpu.vector_store %arg7[%swap3A_379], %swap3A_382 {strides = array<i32>} : memref<961xf32, #tpu.memory_space<vmem>>, vector<16xf32>,
      %get3A_383 = arith.constant 1 : i32
      %get3A_384 = arith.index_cast %get3A_383 : i32 to index
      %get3A_385 = arith.constant 544 : index
      %get3A_386 = tpu.vector_load %arg6[%get3A_384, %get3A_385] {strides = array<i32>} : memref<2x1024xf32, #tpu.memory_space<vmem>>, vector<1x16xf32>,
      %get3A_387 = vector.shape_cast %get3A_386 : vector<1x16xf32> to vector<16xf32>
      %swap3A_388 = arith.constant 544 : index
      %swap3A_389 = tpu.vector_load %arg7[%swap3A_388] {strides = array<i32>} : memref<961xf32, #tpu.memory_space<vmem>>, vector<16xf32>,
      %swap3A_390 = vector.shape_cast %swap3A_389 : vector<16xf32> to vector<16xf32>
      %swap3A_391 = vector.shape_cast %get3A_387 : vector<16xf32> to vector<16xf32>
      tpu.vector_store %arg7[%swap3A_388], %swap3A_391 {strides = array<i32>} : memref<961xf32, #tpu.memory_space<vmem>>, vector<16xf32>,
      %get3A_392 = arith.constant 1 : i32
      %get3A_393 = arith.index_cast %get3A_392 : i32 to index
      %get3A_394 = arith.constant 560 : index
      %get3A_395 = tpu.vector_load %arg6[%get3A_393, %get3A_394] {strides = array<i32>} : memref<2x1024xf32, #tpu.memory_space<vmem>>, vector<1x16xf32>,
      %get3A_396 = vector.shape_cast %get3A_395 : vector<1x16xf32> to vector<16xf32>
      %swap3A_397 = arith.constant 560 : index
      %swap3A_398 = tpu.vector_load %arg7[%swap3A_397] {strides = array<i32>} : memref<961xf32, #tpu.memory_space<vmem>>, vector<16xf32>,
      %swap3A_399 = vector.shape_cast %swap3A_398 : vector<16xf32> to vector<16xf32>
      %swap3A_400 = vector.shape_cast %get3A_396 : vector<16xf32> to vector<16xf32>
      tpu.vector_store %arg7[%swap3A_397], %swap3A_400 {strides = array<i32>} : memref<961xf32, #tpu.memory_space<vmem>>, vector<16xf32>,
      %get3A_401 = arith.constant 1 : i32
      %get3A_402 = arith.index_cast %get3A_401 : i32 to index
      %get3A_403 = arith.constant 576 : index
      %get3A_404 = tpu.vector_load %arg6[%get3A_402, %get3A_403] {strides = array<i32>} : memref<2x1024xf32, #tpu.memory_space<vmem>>, vector<1x16xf32>,
      %get3A_405 = vector.shape_cast %get3A_404 : vector<1x16xf32> to vector<16xf32>
      %swap3A_406 = arith.constant 576 : index
      %swap3A_407 = tpu.vector_load %arg7[%swap3A_406] {strides = array<i32>} : memref<961xf32, #tpu.memory_space<vmem>>, vector<16xf32>,
      %swap3A_408 = vector.shape_cast %swap3A_407 : vector<16xf32> to vector<16xf32>
      %swap3A_409 = vector.shape_cast %get3A_405 : vector<16xf32> to vector<16xf32>
      tpu.vector_store %arg7[%swap3A_406], %swap3A_409 {strides = array<i32>} : memref<961xf32, #tpu.memory_space<vmem>>, vector<16xf32>,
      %get3A_410 = arith.constant 1 : i32
      %get3A_411 = arith.index_cast %get3A_410 : i32 to index
      %get3A_412 = arith.constant 592 : index
      %get3A_413 = tpu.vector_load %arg6[%get3A_411, %get3A_412] {strides = array<i32>} : memref<2x1024xf32, #tpu.memory_space<vmem>>, vector<1x16xf32>,
      %get3A_414 = vector.shape_cast %get3A_413 : vector<1x16xf32> to vector<16xf32>
      %swap3A_415 = arith.constant 592 : index
      %swap3A_416 = tpu.vector_load %arg7[%swap3A_415] {strides = array<i32>} : memref<961xf32, #tpu.memory_space<vmem>>, vector<16xf32>,
      %swap3A_417 = vector.shape_cast %swap3A_416 : vector<16xf32> to vector<16xf32>
      %swap3A_418 = vector.shape_cast %get3A_414 : vector<16xf32> to vector<16xf32>
      tpu.vector_store %arg7[%swap3A_415], %swap3A_418 {strides = array<i32>} : memref<961xf32, #tpu.memory_space<vmem>>, vector<16xf32>,
      %get3A_419 = arith.constant 1 : i32
      %get3A_420 = arith.index_cast %get3A_419 : i32 to index
      %get3A_421 = arith.constant 608 : index
      %get3A_422 = tpu.vector_load %arg6[%get3A_420, %get3A_421] {strides = array<i32>} : memref<2x1024xf32, #tpu.memory_space<vmem>>, vector<1x16xf32>,
      %get3A_423 = vector.shape_cast %get3A_422 : vector<1x16xf32> to vector<16xf32>
      %swap3A_424 = arith.constant 608 : index
      %swap3A_425 = tpu.vector_load %arg7[%swap3A_424] {strides = array<i32>} : memref<961xf32, #tpu.memory_space<vmem>>, vector<16xf32>,
      %swap3A_426 = vector.shape_cast %swap3A_425 : vector<16xf32> to vector<16xf32>
      %swap3A_427 = vector.shape_cast %get3A_423 : vector<16xf32> to vector<16xf32>
      tpu.vector_store %arg7[%swap3A_424], %swap3A_427 {strides = array<i32>} : memref<961xf32, #tpu.memory_space<vmem>>, vector<16xf32>,
      %get3A_428 = arith.constant 1 : i32
      %get3A_429 = arith.index_cast %get3A_428 : i32 to index
      %get3A_430 = arith.constant 624 : index
      %get3A_431 = tpu.vector_load %arg6[%get3A_429, %get3A_430] {strides = array<i32>} : memref<2x1024xf32, #tpu.memory_space<vmem>>, vector<1x16xf32>,
      %get3A_432 = vector.shape_cast %get3A_431 : vector<1x16xf32> to vector<16xf32>
      %swap3A_433 = arith.constant 624 : index
      %swap3A_434 = tpu.vector_load %arg7[%swap3A_433] {strides = array<i32>} : memref<961xf32, #tpu.memory_space<vmem>>, vector<16xf32>,
      %swap3A_435 = vector.shape_cast %swap3A_434 : vector<16xf32> to vector<16xf32>
      %swap3A_436 = vector.shape_cast %get3A_432 : vector<16xf32> to vector<16xf32>
      tpu.vector_store %arg7[%swap3A_433], %swap3A_436 {strides = array<i32>} : memref<961xf32, #tpu.memory_space<vmem>>, vector<16xf32>,
      %get3A_437 = arith.constant 1 : i32
      %get3A_438 = arith.index_cast %get3A_437 : i32 to index
      %get3A_439 = arith.constant 640 : index
      %get3A_440 = tpu.vector_load %arg6[%get3A_438, %get3A_439] {strides = array<i32>} : memref<2x1024xf32, #tpu.memory_space<vmem>>, vector<1x16xf32>,
      %get3A_441 = vector.shape_cast %get3A_440 : vector<1x16xf32> to vector<16xf32>
      %swap3A_442 = arith.constant 640 : index
      %swap3A_443 = tpu.vector_load %arg7[%swap3A_442] {strides = array<i32>} : memref<961xf32, #tpu.memory_space<vmem>>, vector<16xf32>,
      %swap3A_444 = vector.shape_cast %swap3A_443 : vector<16xf32> to vector<16xf32>
      %swap3A_445 = vector.shape_cast %get3A_441 : vector<16xf32> to vector<16xf32>
      tpu.vector_store %arg7[%swap3A_442], %swap3A_445 {strides = array<i32>} : memref<961xf32, #tpu.memory_space<vmem>>, vector<16xf32>,
      %get3A_446 = arith.constant 1 : i32
      %get3A_447 = arith.index_cast %get3A_446 : i32 to index
      %get3A_448 = arith.constant 656 : index
      %get3A_449 = tpu.vector_load %arg6[%get3A_447, %get3A_448] {strides = array<i32>} : memref<2x1024xf32, #tpu.memory_space<vmem>>, vector<1x16xf32>,
      %get3A_450 = vector.shape_cast %get3A_449 : vector<1x16xf32> to vector<16xf32>
      %swap3A_451 = arith.constant 656 : index
      %swap3A_452 = tpu.vector_load %arg7[%swap3A_451] {strides = array<i32>} : memref<961xf32, #tpu.memory_space<vmem>>, vector<16xf32>,
      %swap3A_453 = vector.shape_cast %swap3A_452 : vector<16xf32> to vector<16xf32>
      %swap3A_454 = vector.shape_cast %get3A_450 : vector<16xf32> to vector<16xf32>
      tpu.vector_store %arg7[%swap3A_451], %swap3A_454 {strides = array<i32>} : memref<961xf32, #tpu.memory_space<vmem>>, vector<16xf32>,
      %get3A_455 = arith.constant 1 : i32
      %get3A_456 = arith.index_cast %get3A_455 : i32 to index
      %get3A_457 = arith.constant 672 : index
      %get3A_458 = tpu.vector_load %arg6[%get3A_456, %get3A_457] {strides = array<i32>} : memref<2x1024xf32, #tpu.memory_space<vmem>>, vector<1x16xf32>,
      %get3A_459 = vector.shape_cast %get3A_458 : vector<1x16xf32> to vector<16xf32>
      %swap3A_460 = arith.constant 672 : index
      %swap3A_461 = tpu.vector_load %arg7[%swap3A_460] {strides = array<i32>} : memref<961xf32, #tpu.memory_space<vmem>>, vector<16xf32>,
      %swap3A_462 = vector.shape_cast %swap3A_461 : vector<16xf32> to vector<16xf32>
      %swap3A_463 = vector.shape_cast %get3A_459 : vector<16xf32> to vector<16xf32>
      tpu.vector_store %arg7[%swap3A_460], %swap3A_463 {strides = array<i32>} : memref<961xf32, #tpu.memory_space<vmem>>, vector<16xf32>,
      %get3A_464 = arith.constant 1 : i32
      %get3A_465 = arith.index_cast %get3A_464 : i32 to index
      %get3A_466 = arith.constant 688 : index
      %get3A_467 = tpu.vector_load %arg6[%get3A_465, %get3A_466] {strides = array<i32>} : memref<2x1024xf32, #tpu.memory_space<vmem>>, vector<1x16xf32>,
      %get3A_468 = vector.shape_cast %get3A_467 : vector<1x16xf32> to vector<16xf32>
      %swap3A_469 = arith.constant 688 : index
      %swap3A_470 = tpu.vector_load %arg7[%swap3A_469] {strides = array<i32>} : memref<961xf32, #tpu.memory_space<vmem>>, vector<16xf32>,
      %swap3A_471 = vector.shape_cast %swap3A_470 : vector<16xf32> to vector<16xf32>
      %swap3A_472 = vector.shape_cast %get3A_468 : vector<16xf32> to vector<16xf32>
      tpu.vector_store %arg7[%swap3A_469], %swap3A_472 {strides = array<i32>} : memref<961xf32, #tpu.memory_space<vmem>>, vector<16xf32>,
      %get3A_473 = arith.constant 1 : i32
      %get3A_474 = arith.index_cast %get3A_473 : i32 to index
      %get3A_475 = arith.constant 704 : index
      %get3A_476 = tpu.vector_load %arg6[%get3A_474, %get3A_475] {strides = array<i32>} : memref<2x1024xf32, #tpu.memory_space<vmem>>, vector<1x16xf32>,
      %get3A_477 = vector.shape_cast %get3A_476 : vector<1x16xf32> to vector<16xf32>
      %swap3A_478 = arith.constant 704 : index
      %swap3A_479 = tpu.vector_load %arg7[%swap3A_478] {strides = array<i32>} : memref<961xf32, #tpu.memory_space<vmem>>, vector<16xf32>,
      %swap3A_480 = vector.shape_cast %swap3A_479 : vector<16xf32> to vector<16xf32>
      %swap3A_481 = vector.shape_cast %get3A_477 : vector<16xf32> to vector<16xf32>
      tpu.vector_store %arg7[%swap3A_478], %swap3A_481 {strides = array<i32>} : memref<961xf32, #tpu.memory_space<vmem>>, vector<16xf32>,
      %get3A_482 = arith.constant 1 : i32
      %get3A_483 = arith.index_cast %get3A_482 : i32 to index
      %get3A_484 = arith.constant 720 : index
      %get3A_485 = tpu.vector_load %arg6[%get3A_483, %get3A_484] {strides = array<i32>} : memref<2x1024xf32, #tpu.memory_space<vmem>>, vector<1x16xf32>,
      %get3A_486 = vector.shape_cast %get3A_485 : vector<1x16xf32> to vector<16xf32>
      %swap3A_487 = arith.constant 720 : index
      %swap3A_488 = tpu.vector_load %arg7[%swap3A_487] {strides = array<i32>} : memref<961xf32, #tpu.memory_space<vmem>>, vector<16xf32>,
      %swap3A_489 = vector.shape_cast %swap3A_488 : vector<16xf32> to vector<16xf32>
      %swap3A_490 = vector.shape_cast %get3A_486 : vector<16xf32> to vector<16xf32>
      tpu.vector_store %arg7[%swap3A_487], %swap3A_490 {strides = array<i32>} : memref<961xf32, #tpu.memory_space<vmem>>, vector<16xf32>,
      %get3A_491 = arith.constant 1 : i32
      %get3A_492 = arith.index_cast %get3A_491 : i32 to index
      %get3A_493 = arith.constant 736 : index
      %get3A_494 = tpu.vector_load %arg6[%get3A_492, %get3A_493] {strides = array<i32>} : memref<2x1024xf32, #tpu.memory_space<vmem>>, vector<1x16xf32>,
      %get3A_495 = vector.shape_cast %get3A_494 : vector<1x16xf32> to vector<16xf32>
      %swap3A_496 = arith.constant 736 : index
      %swap3A_497 = tpu.vector_load %arg7[%swap3A_496] {strides = array<i32>} : memref<961xf32, #tpu.memory_space<vmem>>, vector<16xf32>,
      %swap3A_498 = vector.shape_cast %swap3A_497 : vector<16xf32> to vector<16xf32>
      %swap3A_499 = vector.shape_cast %get3A_495 : vector<16xf32> to vector<16xf32>
      tpu.vector_store %arg7[%swap3A_496], %swap3A_499 {strides = array<i32>} : memref<961xf32, #tpu.memory_space<vmem>>, vector<16xf32>,
      %get3A_500 = arith.constant 1 : i32
      %get3A_501 = arith.index_cast %get3A_500 : i32 to index
      %get3A_502 = arith.constant 752 : index
      %get3A_503 = tpu.vector_load %arg6[%get3A_501, %get3A_502] {strides = array<i32>} : memref<2x1024xf32, #tpu.memory_space<vmem>>, vector<1x16xf32>,
      %get3A_504 = vector.shape_cast %get3A_503 : vector<1x16xf32> to vector<16xf32>
      %swap3A_505 = arith.constant 752 : index
      %swap3A_506 = tpu.vector_load %arg7[%swap3A_505] {strides = array<i32>} : memref<961xf32, #tpu.memory_space<vmem>>, vector<16xf32>,
      %swap3A_507 = vector.shape_cast %swap3A_506 : vector<16xf32> to vector<16xf32>
      %swap3A_508 = vector.shape_cast %get3A_504 : vector<16xf32> to vector<16xf32>
      tpu.vector_store %arg7[%swap3A_505], %swap3A_508 {strides = array<i32>} : memref<961xf32, #tpu.memory_space<vmem>>, vector<16xf32>,
      %get3A_509 = arith.constant 1 : i32
      %get3A_510 = arith.index_cast %get3A_509 : i32 to index
      %get3A_511 = arith.constant 768 : index
      %get3A_512 = tpu.vector_load %arg6[%get3A_510, %get3A_511] {strides = array<i32>} : memref<2x1024xf32, #tpu.memory_space<vmem>>, vector<1x16xf32>,
      %get3A_513 = vector.shape_cast %get3A_512 : vector<1x16xf32> to vector<16xf32>
      %swap3A_514 = arith.constant 768 : index
      %swap3A_515 = tpu.vector_load %arg7[%swap3A_514] {strides = array<i32>} : memref<961xf32, #tpu.memory_space<vmem>>, vector<16xf32>,
      %swap3A_516 = vector.shape_cast %swap3A_515 : vector<16xf32> to vector<16xf32>
      %swap3A_517 = vector.shape_cast %get3A_513 : vector<16xf32> to vector<16xf32>
      tpu.vector_store %arg7[%swap3A_514], %swap3A_517 {strides = array<i32>} : memref<961xf32, #tpu.memory_space<vmem>>, vector<16xf32>,
      %get3A_518 = arith.constant 1 : i32
      %get3A_519 = arith.index_cast %get3A_518 : i32 to index
      %get3A_520 = arith.constant 784 : index
      %get3A_521 = tpu.vector_load %arg6[%get3A_519, %get3A_520] {strides = array<i32>} : memref<2x1024xf32, #tpu.memory_space<vmem>>, vector<1x16xf32>,
      %get3A_522 = vector.shape_cast %get3A_521 : vector<1x16xf32> to vector<16xf32>
      %swap3A_523 = arith.constant 784 : index
      %swap3A_524 = tpu.vector_load %arg7[%swap3A_523] {strides = array<i32>} : memref<961xf32, #tpu.memory_space<vmem>>, vector<16xf32>,
      %swap3A_525 = vector.shape_cast %swap3A_524 : vector<16xf32> to vector<16xf32>
      %swap3A_526 = vector.shape_cast %get3A_522 : vector<16xf32> to vector<16xf32>
      tpu.vector_store %arg7[%swap3A_523], %swap3A_526 {strides = array<i32>} : memref<961xf32, #tpu.memory_space<vmem>>, vector<16xf32>,
      %get3A_527 = arith.constant 1 : i32
      %get3A_528 = arith.index_cast %get3A_527 : i32 to index
      %get3A_529 = arith.constant 800 : index
      %get3A_530 = tpu.vector_load %arg6[%get3A_528, %get3A_529] {strides = array<i32>} : memref<2x1024xf32, #tpu.memory_space<vmem>>, vector<1x16xf32>,
      %get3A_531 = vector.shape_cast %get3A_530 : vector<1x16xf32> to vector<16xf32>
      %swap3A_532 = arith.constant 800 : index
      %swap3A_533 = tpu.vector_load %arg7[%swap3A_532] {strides = array<i32>} : memref<961xf32, #tpu.memory_space<vmem>>, vector<16xf32>,
      %swap3A_534 = vector.shape_cast %swap3A_533 : vector<16xf32> to vector<16xf32>
      %swap3A_535 = vector.shape_cast %get3A_531 : vector<16xf32> to vector<16xf32>
      tpu.vector_store %arg7[%swap3A_532], %swap3A_535 {strides = array<i32>} : memref<961xf32, #tpu.memory_space<vmem>>, vector<16xf32>,
      %get3A_536 = arith.constant 1 : i32
      %get3A_537 = arith.index_cast %get3A_536 : i32 to index
      %get3A_538 = arith.constant 816 : index
      %get3A_539 = tpu.vector_load %arg6[%get3A_537, %get3A_538] {strides = array<i32>} : memref<2x1024xf32, #tpu.memory_space<vmem>>, vector<1x16xf32>,
      %get3A_540 = vector.shape_cast %get3A_539 : vector<1x16xf32> to vector<16xf32>
      %swap3A_541 = arith.constant 816 : index
      %swap3A_542 = tpu.vector_load %arg7[%swap3A_541] {strides = array<i32>} : memref<961xf32, #tpu.memory_space<vmem>>, vector<16xf32>,
      %swap3A_543 = vector.shape_cast %swap3A_542 : vector<16xf32> to vector<16xf32>
      %swap3A_544 = vector.shape_cast %get3A_540 : vector<16xf32> to vector<16xf32>
      tpu.vector_store %arg7[%swap3A_541], %swap3A_544 {strides = array<i32>} : memref<961xf32, #tpu.memory_space<vmem>>, vector<16xf32>,
      %get3A_545 = arith.constant 1 : i32
      %get3A_546 = arith.index_cast %get3A_545 : i32 to index
      %get3A_547 = arith.constant 832 : index
      %get3A_548 = tpu.vector_load %arg6[%get3A_546, %get3A_547] {strides = array<i32>} : memref<2x1024xf32, #tpu.memory_space<vmem>>, vector<1x16xf32>,
      %get3A_549 = vector.shape_cast %get3A_548 : vector<1x16xf32> to vector<16xf32>
      %swap3A_550 = arith.constant 832 : index
      %swap3A_551 = tpu.vector_load %arg7[%swap3A_550] {strides = array<i32>} : memref<961xf32, #tpu.memory_space<vmem>>, vector<16xf32>,
      %swap3A_552 = vector.shape_cast %swap3A_551 : vector<16xf32> to vector<16xf32>
      %swap3A_553 = vector.shape_cast %get3A_549 : vector<16xf32> to vector<16xf32>
      tpu.vector_store %arg7[%swap3A_550], %swap3A_553 {strides = array<i32>} : memref<961xf32, #tpu.memory_space<vmem>>, vector<16xf32>,
      %get3A_554 = arith.constant 1 : i32
      %get3A_555 = arith.index_cast %get3A_554 : i32 to index
      %get3A_556 = arith.constant 848 : index
      %get3A_557 = tpu.vector_load %arg6[%get3A_555, %get3A_556] {strides = array<i32>} : memref<2x1024xf32, #tpu.memory_space<vmem>>, vector<1x16xf32>,
      %get3A_558 = vector.shape_cast %get3A_557 : vector<1x16xf32> to vector<16xf32>
      %swap3A_559 = arith.constant 848 : index
      %swap3A_560 = tpu.vector_load %arg7[%swap3A_559] {strides = array<i32>} : memref<961xf32, #tpu.memory_space<vmem>>, vector<16xf32>,
      %swap3A_561 = vector.shape_cast %swap3A_560 : vector<16xf32> to vector<16xf32>
      %swap3A_562 = vector.shape_cast %get3A_558 : vector<16xf32> to vector<16xf32>
      tpu.vector_store %arg7[%swap3A_559], %swap3A_562 {strides = array<i32>} : memref<961xf32, #tpu.memory_space<vmem>>, vector<16xf32>,
      %get3A_563 = arith.constant 1 : i32
      %get3A_564 = arith.index_cast %get3A_563 : i32 to index
      %get3A_565 = arith.constant 864 : index
      %get3A_566 = tpu.vector_load %arg6[%get3A_564, %get3A_565] {strides = array<i32>} : memref<2x1024xf32, #tpu.memory_space<vmem>>, vector<1x16xf32>,
      %get3A_567 = vector.shape_cast %get3A_566 : vector<1x16xf32> to vector<16xf32>
      %swap3A_568 = arith.constant 864 : index
      %swap3A_569 = tpu.vector_load %arg7[%swap3A_568] {strides = array<i32>} : memref<961xf32, #tpu.memory_space<vmem>>, vector<16xf32>,
      %swap3A_570 = vector.shape_cast %swap3A_569 : vector<16xf32> to vector<16xf32>
      %swap3A_571 = vector.shape_cast %get3A_567 : vector<16xf32> to vector<16xf32>
      tpu.vector_store %arg7[%swap3A_568], %swap3A_571 {strides = array<i32>} : memref<961xf32, #tpu.memory_space<vmem>>, vector<16xf32>,
      %get3A_572 = arith.constant 1 : i32
      %get3A_573 = arith.index_cast %get3A_572 : i32 to index
      %get3A_574 = arith.constant 880 : index
      %get3A_575 = tpu.vector_load %arg6[%get3A_573, %get3A_574] {strides = array<i32>} : memref<2x1024xf32, #tpu.memory_space<vmem>>, vector<1x16xf32>,
      %get3A_576 = vector.shape_cast %get3A_575 : vector<1x16xf32> to vector<16xf32>
      %swap3A_577 = arith.constant 880 : index
      %swap3A_578 = tpu.vector_load %arg7[%swap3A_577] {strides = array<i32>} : memref<961xf32, #tpu.memory_space<vmem>>, vector<16xf32>,
      %swap3A_579 = vector.shape_cast %swap3A_578 : vector<16xf32> to vector<16xf32>
      %swap3A_580 = vector.shape_cast %get3A_576 : vector<16xf32> to vector<16xf32>
      tpu.vector_store %arg7[%swap3A_577], %swap3A_580 {strides = array<i32>} : memref<961xf32, #tpu.memory_space<vmem>>, vector<16xf32>,
      %get3A_581 = arith.constant 1 : i32
      %get3A_582 = arith.index_cast %get3A_581 : i32 to index
      %get3A_583 = arith.constant 896 : index
      %get3A_584 = tpu.vector_load %arg6[%get3A_582, %get3A_583] {strides = array<i32>} : memref<2x1024xf32, #tpu.memory_space<vmem>>, vector<1x16xf32>,
      %get3A_585 = vector.shape_cast %get3A_584 : vector<1x16xf32> to vector<16xf32>
      %swap3A_586 = arith.constant 896 : index
      %swap3A_587 = tpu.vector_load %arg7[%swap3A_586] {strides = array<i32>} : memref<961xf32, #tpu.memory_space<vmem>>, vector<16xf32>,
      %swap3A_588 = vector.shape_cast %swap3A_587 : vector<16xf32> to vector<16xf32>
      %swap3A_589 = vector.shape_cast %get3A_585 : vector<16xf32> to vector<16xf32>
      tpu.vector_store %arg7[%swap3A_586], %swap3A_589 {strides = array<i32>} : memref<961xf32, #tpu.memory_space<vmem>>, vector<16xf32>,
      %get3A_590 = arith.constant 1 : i32
      %get3A_591 = arith.index_cast %get3A_590 : i32 to index
      %get3A_592 = arith.constant 912 : index
      %get3A_593 = tpu.vector_load %arg6[%get3A_591, %get3A_592] {strides = array<i32>} : memref<2x1024xf32, #tpu.memory_space<vmem>>, vector<1x16xf32>,
      %get3A_594 = vector.shape_cast %get3A_593 : vector<1x16xf32> to vector<16xf32>
      %swap3A_595 = arith.constant 912 : index
      %swap3A_596 = tpu.vector_load %arg7[%swap3A_595] {strides = array<i32>} : memref<961xf32, #tpu.memory_space<vmem>>, vector<16xf32>,
      %swap3A_597 = vector.shape_cast %swap3A_596 : vector<16xf32> to vector<16xf32>
      %swap3A_598 = vector.shape_cast %get3A_594 : vector<16xf32> to vector<16xf32>
      tpu.vector_store %arg7[%swap3A_595], %swap3A_598 {strides = array<i32>} : memref<961xf32, #tpu.memory_space<vmem>>, vector<16xf32>,
      %get3A_599 = arith.constant 1 : i32
      %get3A_600 = arith.index_cast %get3A_599 : i32 to index
      %get3A_601 = arith.constant 928 : index
      %get3A_602 = tpu.vector_load %arg6[%get3A_600, %get3A_601] {strides = array<i32>} : memref<2x1024xf32, #tpu.memory_space<vmem>>, vector<1x16xf32>,
      %get3A_603 = vector.shape_cast %get3A_602 : vector<1x16xf32> to vector<16xf32>
      %swap3A_604 = arith.constant 928 : index
      %swap3A_605 = tpu.vector_load %arg7[%swap3A_604] {strides = array<i32>} : memref<961xf32, #tpu.memory_space<vmem>>, vector<16xf32>,
      %swap3A_606 = vector.shape_cast %swap3A_605 : vector<16xf32> to vector<16xf32>
      %swap3A_607 = vector.shape_cast %get3A_603 : vector<16xf32> to vector<16xf32>
      tpu.vector_store %arg7[%swap3A_604], %swap3A_607 {strides = array<i32>} : memref<961xf32, #tpu.memory_space<vmem>>, vector<16xf32>,
      %get3A_608 = arith.constant 1 : i32
      %get3A_609 = arith.index_cast %get3A_608 : i32 to index
      %get3A_610 = arith.constant 944 : index
      %get3A_611 = tpu.vector_load %arg6[%get3A_609, %get3A_610] {strides = array<i32>} : memref<2x1024xf32, #tpu.memory_space<vmem>>, vector<1x16xf32>,
      %get3A_612 = vector.shape_cast %get3A_611 : vector<1x16xf32> to vector<16xf32>
      %swap3A_613 = arith.constant 944 : index
      %swap3A_614 = tpu.vector_load %arg7[%swap3A_613] {strides = array<i32>} : memref<961xf32, #tpu.memory_space<vmem>>, vector<16xf32>,
      %swap3A_615 = vector.shape_cast %swap3A_614 : vector<16xf32> to vector<16xf32>
      %swap3A_616 = vector.shape_cast %get3A_612 : vector<16xf32> to vector<16xf32>
      tpu.vector_store %arg7[%swap3A_613], %swap3A_616 {strides = array<i32>} : memref<961xf32, #tpu.memory_space<vmem>>, vector<16xf32>,
      %dma_start3A_617 = arith.constant 0 : i32
      %dma_start3A_618 = tpu.memref_slice %arg4[%add3A, %dma_start3A_617] : memref<4x961xf32, #tpu.memory_space<hbm>> -> memref<1x961xf32, #tpu.memory_space<hbm>>
      %dma_start3A_619 = tpu.memref_squeeze %dma_start3A_618 : memref<1x961xf32, #tpu.memory_space<hbm>> -> memref<961xf32, #tpu.memory_space<hbm>>
      %dma_start3A_620 = arith.constant 0 : i32
      %dma_start3A_621 = tpu.memref_slice %arg4[%add3A, %dma_start3A_620] : memref<4x961xf32, #tpu.memory_space<hbm>> -> memref<1x961xf32, #tpu.memory_space<hbm>>
      %dma_start3A_622 = tpu.memref_squeeze %dma_start3A_621 : memref<1x961xf32, #tpu.memory_space<hbm>> -> memref<961xf32, #tpu.memory_space<hbm>>
      tpu.enqueue_dma source(%arg7 : memref<961xf32, #tpu.memory_space<vmem>>) target(%dma_start3A_622 : memref<961xf32, #tpu.memory_space<hbm>>) target_semaphore(%arg9 : memref<!tpu.dma_semaphore, #tpu.memory_space<semaphore_mem>>)
      %dma_wait3A_623 = arith.constant 0 : i32
      %dma_wait3A_624 = tpu.memref_slice %arg4[%add3A, %dma_wait3A_623] : memref<4x961xf32, #tpu.memory_space<hbm>> -> memref<1x961xf32, #tpu.memory_space<hbm>>
      %dma_wait3A_625 = tpu.memref_squeeze %dma_wait3A_624 : memref<1x961xf32, #tpu.memory_space<hbm>> -> memref<961xf32, #tpu.memory_space<hbm>>
      %dma_wait3A_626 = arith.constant 0 : i32
      %dma_wait3A_627 = tpu.memref_slice %arg4[%add3A, %dma_wait3A_626] : memref<4x961xf32, #tpu.memory_space<hbm>> -> memref<1x961xf32, #tpu.memory_space<hbm>>
      %dma_wait3A_628 = tpu.memref_squeeze %dma_wait3A_627 : memref<1x961xf32, #tpu.memory_space<hbm>> -> memref<961xf32, #tpu.memory_space<hbm>>
      tpu.wait_dma2 semaphore(%arg9 : memref<!tpu.dma_semaphore, #tpu.memory_space<semaphore_mem>>) src(%arg7 : memref<961xf32, #tpu.memory_space<vmem>>) dst(%dma_wait3A_628 : memref<961xf32, #tpu.memory_space<hbm>>)
    } else {
    }
    return
  }
}

</mosaic_0001>

<sc_bundles>
// kernel: _run.3.cloned.1.call-start
scs
__scs_entry_jumppad:
0x0: {  	(pc) =	sbr.rel $0x88, $3  }
0x1: {  	(tag) =	ssettag $0x0;
	lr =	simm.s32 $0x1  }
0x2: {  	[smem:$0x3F9F] =	sst lr;
	_ =	strace $0xD0000000  }
0x3: {  	_ = 	snop  }
0x4: {  	_ = 	snop  }
0x5: {  	_ = 	snop  }
0x6: {  	_ = 	snop  }
0x7: {  	_ = 	snop  }
__scs_overlays_trampoline_lowered:
0x8: {  	[smem:$0x3FAE] =	sst s0  }
0x9: {  	[smem:$0x3FAF] =	sst s1  }
0xa: {  	[smem:$0x3FB0] =	sst s2  }
0xb: {  	[smem:$0x3FB1] =	sst s3  }
0xc: {  	[smem:$0x3FB2] =	sst s4  }
0xd: {  	[smem:$0x3FB3] =	sst s5  }
0xe: {  	[smem:$0x3FB4] =	sst s6  }
0xf: {  	[smem:$0x3FB5] =	sst s7  }
0x10: {  	[smem:$0x3FB6] =	sst s8  }
0x11: {  	[smem:$0x3FB7] =	sst s9;
	s0 =	simm.s32 @!p0 $0x0  }
0x12: {  	s1 =	sld [smem:$0x3F9D];
	s0 =	simm.s32 @p0 $0x1  }
0x13: {  	[smem:$0x3FB8] =	sst s0;
	s0 =	simm.s32 @!p1 $0x0  }
0x14: {  	s2 =	sld [smem:$0x3F9C];
	s0 =	simm.s32 @p1 $0x1  }
0x15: {  	[smem:$0x3FB9] =	sst s0;
	s0 =	simm.s32 @!p2 $0x0  }
0x16: {  	s3 =	sld [smem:$0x3FDB];
	s0 =	simm.s32 @p2 $0x1  }
0x17: {  	s4 =	simm.s32 $0x1BF5;
	[smem:$0x3FBB] =	sst s0  }
0x18: {  	s0 =	sld [smem:$0x3F9E];
	_ =	swait.ge [sflag:s4], $0x0  }
0x19: {  	s7 =	sld [smem:$0x3F9F]  }
0x1a: {  	s8 =	sadd.s32 $0xFFFFE003, lr  }
0x1b: {  	s9 =	sadd.s32 $0xFFFFFEF7, lr;
	s5 =	simm.s32 $0xFFFFFFFF;
	p2 =	slt.u32 s8, $0xFFFFF086  }
0x1c: {  	p1 =	slt.u32 s9, $0xF7A;
	s5 =	simm.s32 @!p2 $0x0  }
0x1d: {  	s5 =	simm.s32 @p1 $0x1;
	p0 =	seq.s32 s7, s2  }
0x1e: {  	s7 =	smul.u32 @!p0 $0xF7A, s2;
	p2 =	seq.s32 @!p0 s5, $0x0  }
0x1f: {  	s9 =	smul.u32 $0xF7A, s1;
	s8 =	simm.s32 @!p0 $0x1BF5;
	p2 =	por !p2, p0  }
0x20: {  	[sflag:s8] =	ssyncset.s32 @!p0 $0xFFFFF086;
	s6 =	sadd.s32 @!p0 s3, s7;
	s7 =	simm.s32 @!p0 $0x108  }
0x21: {  	s3 =	sadd.s32 s3, s9;
	s6 =	sadd.s32 @!p0 $0x88, s6;
	s7 =	simm.s32 @p2 $0x1082  }
0x22: {  	[simem:s7], [sflag:s8] =	dma.local @!p0 [hbm:s6], $0xF7A  }
0x23: {  	s9 =	sor.u32 $0xD0000000, s2;
	s6 =	simm.s32 $0x108;
	_ =	swait.ge @!p0 [sflag:s8], $0x0  }
0x24: {  	s3 =	sadd.s32 $0x88, s3;
	s6 =	simm.s32 @!p1 $0x1082;
	[sflag:s4] =	ssyncset.s32 $0xFFFFF086  }
0x25: {  	[simem:s6], [sflag:s4] =	dma.local [hbm:s3], $0xF7A  }
0x26: {  	[smem:$0x3F9F] =	sst s1;
	(tag) =	ssettag s2;
	_ =	strace s9  }
0x27: {  	s1 =	sld [smem:$0x3FAF]  }
0x28: {  	s2 =	sld [smem:$0x3FB0]  }
0x29: {  	s4 =	sld [smem:$0x3FB2]  }
0x2a: {  	p0 =	seq.s32 s5, $0x0;
	s5 =	sld [smem:$0x3FB3]  }
0x2b: {  	s6 =	sld [smem:$0x3FB4]  }
0x2c: {  	s7 =	sld [smem:$0x3FB5]  }
0x2d: {  	s3 =	simm.s32 $0x108;
	s8 =	sld [smem:$0x3FB6]  }
0x2e: {  	s3 =	simm.s32 @!p0 $0x1082;
	s9 =	sld [smem:$0x3FB7]  }
0x2f: {  	lr =	sadd.s32 s0, s3;
	s0 =	sld [smem:$0x3FAE]  }
0x30: {  	s3 =	sld [smem:$0x3FB1]  }
0x31: {  	[smem:$0x3FBA] =	sst s10  }
0x32: {  	s10 =	sld [smem:$0x3FB8];
	_ =	sdelay $0x3  }
0x33: {  	p0 =	seq.s32 s10, $0x1;
	s10 =	sld [smem:$0x3FBA];
	_ =	sdelay $0x3  }
0x34: {  	[smem:$0x3FBA] =	sst s10  }
0x35: {  	s10 =	sld [smem:$0x3FB9];
	_ =	sdelay $0x3  }
0x36: {  	p1 =	seq.s32 s10, $0x1;
	s10 =	sld [smem:$0x3FBA];
	_ =	sdelay $0x3  }
0x37: {  	[smem:$0x3FBA] =	sst s10  }
0x38: {  	s10 =	sld [smem:$0x3FBB]  }
0x39: {  	_ = 	snop;
	(pc) =	sbr.ind lr, $3  }
0x3a: {  	_ = 	snop  }
0x3b: {  	_ = 	snop  }
0x3c: {  	p2 =	seq.s32 s10, $0x1;
	s10 =	sld [smem:$0x3FBA]  }
0x3d: {  	_ =	shalt  }
0x3e: {  	_ =	shalt  }
0x3f: {  	_ =	shalt  }
0x40: {  	_ =	shalt  }
0x41: {  	_ =	shalt  }
0x42: {  	_ =	shalt  }
0x43: {  	_ =	shalt  }
0x44: {  	_ =	shalt  }
0x45: {  	_ =	shalt  }
0x46: {  	_ =	shalt  }
0x47: {  	_ =	shalt  }
0x48: {  	_ =	shalt  }
0x49: {  	_ =	shalt  }
0x4a: {  	_ =	shalt  }
0x4b: {  	_ =	shalt  }
0x4c: {  	_ =	shalt  }
0x4d: {  	_ =	shalt  }
0x4e: {  	_ =	shalt  }
0x4f: {  	_ =	shalt  }
0x50: {  	_ =	shalt  }
0x51: {  	_ =	shalt  }
0x52: {  	_ =	shalt  }
0x53: {  	_ =	shalt  }
0x54: {  	_ =	shalt  }
0x55: {  	_ =	shalt  }
0x56: {  	_ =	shalt  }
0x57: {  	_ =	shalt  }
0x58: {  	_ =	shalt  }
0x59: {  	_ =	shalt  }
0x5a: {  	_ =	shalt  }
0x5b: {  	_ =	shalt  }
0x5c: {  	_ =	shalt  }
0x5d: {  	_ =	shalt  }
0x5e: {  	_ =	shalt  }
0x5f: {  	_ =	shalt  }
0x60: {  	_ =	shalt  }
0x61: {  	_ =	shalt  }
0x62: {  	_ =	shalt  }
0x63: {  	_ =	shalt  }
0x64: {  	_ =	shalt  }
0x65: {  	_ =	shalt  }
0x66: {  	_ =	shalt  }
0x67: {  	_ =	shalt  }
0x68: {  	_ =	shalt  }
0x69: {  	_ =	shalt  }
0x6a: {  	_ =	shalt  }
0x6b: {  	_ =	shalt  }
0x6c: {  	_ =	shalt  }
0x6d: {  	_ =	shalt  }
0x6e: {  	_ =	shalt  }
0x6f: {  	_ =	shalt  }
0x70: {  	_ =	shalt  }
0x71: {  	_ =	shalt  }
0x72: {  	_ =	shalt  }
0x73: {  	_ =	shalt  }
0x74: {  	_ =	shalt  }
0x75: {  	_ =	shalt  }
0x76: {  	_ =	shalt  }
0x77: {  	_ =	shalt  }
0x78: {  	_ =	shalt  }
0x79: {  	_ =	shalt  }
0x7a: {  	_ =	shalt  }
0x7b: {  	_ =	shalt  }
0x7c: {  	_ =	shalt  }
0x7d: {  	_ =	shalt  }
0x7e: {  	_ =	shalt  }
0x7f: {  	_ =	shalt  }
0x80: {  	_ =	shalt  }
0x81: {  	_ =	shalt  }
0x82: {  	_ =	shalt  }
0x83: {  	_ =	shalt  }
0x84: {  	_ =	shalt  }
0x85: {  	_ =	shalt  }
0x86: {  	_ =	shalt  }
0x87: {  	_ =	shalt  }
.Lfunc_end0:
.L_simem_size_0:
called_computation_lowered:
.L_overlay_start_0:
0x88: {  	s0 =	sld [smem:$0x3FD9]  }
0x89: {  	s1 =	sld [smem:$0x3FFE];
	_ =	sdelay $0x3  }
0x8a: {  	s0 =	sadd.s32 s1, s0  }
0x8b: {  	[smem:$0x3FC6] =	sst s0  }
0x8c: {  	_ = 	snop  }
0x8d: {  	s0 =	sld [smem:$0x3FC9]  }
0x8e: {  	s16 =	sld [smem:$0x3FD0];
	(tm) =	ssettm $0x1  }
0x8f: {  	s2 =	sld [smem:$0x3FFB];
	_ =	sdelay $0x3  }
0x90: {  	_ =	strace s2  }
0x91: {  	s2 =	sld [smem:$0x3FFC];
	_ =	sdelay $0x3  }
0x92: {  	_ =	strace s2  }
0x93: {  	s2 =	sld [smem:$0x3FFD];
	_ =	sdelay $0x3  }
0x94: {  	_ =	strace s2  }
0x95: {  	_ =	strace $0x8FFFFFFF  }
0x96: {  	s17 =	sld [smem:$0x3FDB];
	_ =	sdelay $0x1  }
0x97: {  	s3 =	simm.s32 $_scs_section_size  }
0x98: {  	s4 =	simm.s32 $_size__tile_overlayer_lowered;
	s5 =	simm.s32 $_tile_overlayer_lowered  }
0x99: {  	s20 =	simm.s32 $0x1BFF;
	s19 =	sshll.u32 s5, $0x1;
	s2 =	sadd.s32 s3, s17  }
0x9a: {  	s6 =	simm.s32 $0x0;
	s18 =	sshll.u32 s4, $0x1;
	s4 =	sadd.s32 s19, s2  }
0x9b: {  	[timem:s6], [sflag:s20] =	dma.local [hbm:s4], s18  }
0x9c: {  	_ =	swait.ge [sflag:s20], s18  }
0x9d: {  	s3 =	ssub.s32 $0x0, s18;
	[sflag:s20] =	ssyncset.done $0x0  }
0x9e: {  	[sflag:s20] =	ssyncadd.s32 s3;
	_ =	sdelay $0x1  }
0x9f: {  	s21 =	simm.s32 $0x1B8B  }
0xa0: {  	_ =	swait.ge [sflag:s21], $0x1  }
0xa1: {  	[sflag:s21] =	ssyncset.done $0x0  }
0xa2: {  	s23 =	simm.s32 $0x1B8E;
	s22 =	sld [smem:$0x3FFE];
	[sflag:s21] =	ssyncadd.s32 $0xFFFFFFFF  }
0xa3: {  	s24 =	simm.s32 $execute0_lowered;
	[smem:$0x3FD2] =	sst s23  }
0xa4: {  	s4 =	sshll.u32 s24, $0x1;
	_ =	strace $0x80000046;
	[dreg:$0x1] =	wrdreg $0xFFFFFFFF  }
0xa5: {  	s25 =	simm.s32 $_size_execute0_lowered;
	s2 =	sadd.s32 s2, s4;
	[dreg:$0x0] =	wrdreg $0x0  }
0xa6: {  	s4 =	sshll.u32 s25, $0x1;
	[dreg:$0x2] =	wrdreg s2  }
0xa7: {  	[dreg:$0x3] =	wrdreg s4  }
0xa8: {  	[dreg:$0x4] =	wrdreg $0xC0  }
0xa9: {  	_ =	task [dreg:s6], $0x5FFFF  }
0xaa: {  	[dreg:$0x1] =	wrdreg $0xFFFFFFFF  }
0xab: {  	[dreg:$0x0] =	wrdreg $0x60  }
0xac: {  	[dreg:$0x2] =	wrdreg s0  }
0xad: {  	[dreg:$0x3] =	wrdreg s22  }
0xae: {  	[dreg:$0x4] =	wrdreg s16  }
0xaf: {  	[dreg:$0x5] =	wrdreg $0x9  }
0xb0: {  	_ =	task.clear_ibuf [dreg:s6], $0x6FFFF;
	_ =	strace $0x90000046  }
0xb1: {  	s26 =	simm.s32 $0x9;
	_ =	strace $0x80000048  }
0xb2: {  	_ =	swait.ge [sflag:s26], $0x1  }
0xb3: {  	[sflag:s26] =	ssyncadd.s32 $0xFFFFFFFF  }
0xb4: {  	_ =	strace $0x90000048  }
0xb5: {  	_ =	sfence  }
0xb6: {  	s28 =	sld [smem:$0x0];
	_ =	sdelay $0x1  }
0xb7: {  	s29 =	srdreg.scid  }
0xb8: {  	s30 =	sshll.u32 s29, $0xD;
	s31 =	sshrl.u32 s29, $0x2  }
0xb9: {  	s1 =	sand.u32 $0x1, s29;
	s2 =	sand.u32 $0x4000, s30;
	s0 =	sadd.s32 s31, s28  }
0xba: {  	s1 =	sor.u32 s2, s1;
	s0 =	sshll.u32 s0, $0x11  }
0xbb: {  	s0 =	sor.u32 s0, s1  }
0xbc: {  	s0 =	sadd.s32 $0x8F2B, s0  }
0xbd: {  	[sflag:s0] =	ssyncadd.remote.s32 $0x1  }
0xbe: {  	_ =	sfence.sel $0xFFFF  }
0xbf: {  	[dreg:$0x0] =	wrdreg $0xFFFFFFFF;
	(pc) =	sbr.abs _section_cstart, $3  }
0xc0: {  	[dreg:$0x1] =	wrdreg $0xFFFFFFFF  }
0xc1: {  	_ =	task.clear_ibuf [dreg:s6], $0x2FFFF;
	_ =	strace $0x9FFFFFFF  }
0xc2: {  	(tm) =	ssettm $0x7FFFFFFF  }
0xc3: {  	_ =	shalt  }
tec
execute0_lowered:
.L_overlay_start_1:
0x0: {  	(tag) =	ssettag $0x1  }
0x1: {  	s1 =	stileid.u32  }
0x2: {  	p0 =	sgt.u32 s1, $0x3  }
.Ltmp0:
0x3: {  	s5 =	rddreg [dreg:$0x0];
	(pc) =	sbr.rel @p0 .LBB2_2-.Ltmp0, $4  }
0x4: {  	s3 =	rddreg [dreg:$0x1]  }
0x5: {  	s2 =	rddreg [dreg:$0x2];
	s6 =	simm.s32 $0x0  }
0x6: {  	[smem:$0x7FF] =	sst s6  }
0x7: {  	s0 =	rddreg [dreg:$0x3];
	_ =	strace $0x80000047  }
0x8: {  	s4 =	sadd.s32 $0x400, s3;
	s8 =	sshll.u32 s1, $0x4  }
0x9: {  	s9 =	simm.s32 $0x3;
	s4 =	sadd.s32 s4, s8  }
0xa: {  	[tilespmem:s6], [sflag:$0x3] =	stream.linear.gather [hbm4b:s4+s6], $0x80, $0x38;
	[tilespmem:$0xC80] =	vst v63  }
0xb: {  	_ =	swait.ge [sflag:s9], $0x80  }
0xc: {  	[sflag:s9] =	ssyncset.done $0x0  }
0xd: {  	[sflag:s9] =	ssyncadd.s32 $0xFFFFFF80  }
0xe: {  	v0 =	vld.msk [tilespmem:$0x0], $0x3;
	_ =	sdelay $0x4  }
0xf: {  	v1 =	vshll.u32 v0, $0x3  }
0x10: {  	v2 =	vlaneseq.u32;
	v0 =	vand.u32 $0x7, v0;
	v1 =	vand.u32 $0xFFFFFFC0, v1  }
0x11: {  	v55 =	vand.u32 $0x1, v2;
	v2 =	vshrl.u32 v2, $0x1;
	v0 =	vor.u32 v0, v1  }
0x12: {  	v56 =	vmul.u32 $0x8, v2;
	v0 =	vperm.xlane v0, v55;
	_ =	sdelay $0x1  }
0x13: {  	v0 =	vadd.s32 v56, v0;
	_ =	sdelay $0x3  }
0x14: {  	vm0 =	vmmov $0xffff;
	s10 =	simm.s32 $0x80;
	s11 =	simm.s32 $0x1  }
0x15: {  	[tilespmem:s10], [sflag:$0x1] =	stream.indirect_vreg.gather [hbm4b:s5+s6], $0x80, v0, vm0, $0xb8;
	[tilespmem:$0xC80] =	vst v63  }
0x16: {  	_ =	swait.ge [sflag:s11], $0x800  }
0x17: {  	[sflag:s11] =	ssyncset.done $0x0  }
0x18: {  	[sflag:s11] =	ssyncadd.s32 $0xFFFFF800  }
0x19: {  	v57 =	vld [tilespmem:$0x7C0]  }
0x1a: {  	v58 =	vld [tilespmem:$0x7D0]  }
0x1b: {  	v59 =	vld [tilespmem:$0x860]  }
0x1c: {  	v3 =	vld [tilespmem:$0x870]  }
0x1d: {  	v60 =	vld [tilespmem:$0x80]  }
0x1e: {  	v61 =	vld [tilespmem:$0x90]  }
0x1f: {  	v62 =	vld [tilespmem:$0xA0]  }
0x20: {  	v4 =	vld [tilespmem:$0xB0]  }
0x21: {  	v8 =	vld [tilespmem:$0xC0]  }
0x22: {  	v9 =	vld [tilespmem:$0xD0];
	[tilespmem:$0x880] =	vst v60  }
0x23: {  	v10 =	vld [tilespmem:$0xE0];
	[tilespmem:$0x890] =	vst v61  }
0x24: {  	v11 =	vld [tilespmem:$0xF0];
	[tilespmem:$0x8A0] =	vst v62  }
0x25: {  	v12 =	vld [tilespmem:$0x180];
	v0 =	vmul.f32 v59, v57;
	v1 =	vmul.f32 v3, v58;
	[tilespmem:$0x8B0] =	vst v4  }
0x26: {  	v13 =	vld [tilespmem:$0x190];
	[tilespmem:$0x8C0] =	vst v8  }
0x27: {  	v14 =	vld [tilespmem:$0x1A0];
	[tilespmem:$0x8D0] =	vst v9;
	v0 =	vadd.f32 v1, v0  }
0x28: {  	v15 =	vld [tilespmem:$0x1B0];
	[tilespmem:$0x8E0] =	vst v10  }
0x29: {  	v16 =	vld [tilespmem:$0x1C0];
	[tilespmem:$0x8F0] =	vst v11;
	(v2sf) =	vpush v0, $0x0  }
0x2a: {  	v17 =	vld [tilespmem:$0x1D0];
	[tilespmem:$0x900] =	vst v12;
	(v2sf) =	vpush v0, $0x1  }
0x2b: {  	v18 =	vld [tilespmem:$0x1E0];
	[tilespmem:$0x910] =	vst v13  }
0x2c: {  	v19 =	vld [tilespmem:$0x1F0];
	[tilespmem:$0x920] =	vst v14;
	(v2sf) =	vpush v0, $0x2  }
0x2d: {  	v20 =	vld [tilespmem:$0x280];
	[tilespmem:$0x930] =	vst v15  }
0x2e: {  	v21 =	vld [tilespmem:$0x290];
	[tilespmem:$0x940] =	vst v16;
	(v2sf) =	vpush v0, $0x3  }
0x2f: {  	v22 =	vld [tilespmem:$0x2A0];
	[tilespmem:$0x950] =	vst v17  }
0x30: {  	v23 =	vld [tilespmem:$0x2B0];
	[tilespmem:$0x960] =	vst v18;
	(v2sf) =	vpush v0, $0x4  }
0x31: {  	v24 =	vld [tilespmem:$0x2C0];
	[tilespmem:$0x970] =	vst v19  }
0x32: {  	v25 =	vld [tilespmem:$0x2D0];
	[tilespmem:$0x980] =	vst v20;
	(v2sf) =	vpush v0, $0x5  }
0x33: {  	v26 =	vld [tilespmem:$0x2E0];
	[tilespmem:$0x990] =	vst v21  }
0x34: {  	v27 =	vld [tilespmem:$0x2F0];
	[tilespmem:$0x9A0] =	vst v22;
	(v2sf) =	vpush v0, $0x6  }
0x35: {  	v28 =	vld [tilespmem:$0x380];
	[tilespmem:$0x9B0] =	vst v23  }
0x36: {  	v29 =	vld [tilespmem:$0x390];
	[tilespmem:$0x9C0] =	vst v24;
	(v2sf) =	vpush v0, $0x7  }
0x37: {  	v30 =	vld [tilespmem:$0x3A0];
	[tilespmem:$0x9D0] =	vst v25  }
0x38: {  	v31 =	vld [tilespmem:$0x3B0];
	[tilespmem:$0x9E0] =	vst v26;
	s12 =	spop (v2sf);
	(v2sf) =	vpush v0, $0x8  }
0x39: {  	v32 =	vld [tilespmem:$0x3C0];
	[tilespmem:$0x9F0] =	vst v27;
	s13 =	spop (v2sf)  }
0x3a: {  	v33 =	vld [tilespmem:$0x3D0];
	[tilespmem:$0xA00] =	vst v28;
	(v2sf) =	vpush v0, $0x9;
	s5 =	sadd.f32 s13, s12  }
0x3b: {  	v34 =	vld [tilespmem:$0x460];
	[tilespmem:$0xA10] =	vst v29;
	s14 =	spop (v2sf)  }
0x3c: {  	v35 =	vld [tilespmem:$0x470];
	[tilespmem:$0xA20] =	vst v30;
	(v2sf) =	vpush v0, $0xA;
	s5 =	sadd.f32 s5, s14  }
0x3d: {  	v36 =	vld [tilespmem:$0x500];
	[tilespmem:$0xA30] =	vst v31;
	s15 =	spop (v2sf)  }
0x3e: {  	v37 =	vld [tilespmem:$0x510];
	[tilespmem:$0xA40] =	vst v32;
	(v2sf) =	vpush v0, $0xB;
	s5 =	sadd.f32 s5, s15  }
0x3f: {  	v38 =	vld [tilespmem:$0x520];
	[tilespmem:$0xA50] =	vst v33;
	s16 =	spop (v2sf)  }
0x40: {  	v39 =	vld [tilespmem:$0x530];
	[tilespmem:$0xA60] =	vst v34;
	(v2sf) =	vpush v0, $0xC;
	s5 =	sadd.f32 s5, s16  }
0x41: {  	v40 =	vld [tilespmem:$0x540];
	[tilespmem:$0xA70] =	vst v35;
	s17 =	spop (v2sf)  }
0x42: {  	v41 =	vld [tilespmem:$0x550];
	[tilespmem:$0xA80] =	vst v36;
	(v2sf) =	vpush v0, $0xD;
	s5 =	sadd.f32 s5, s17  }
0x43: {  	v42 =	vld [tilespmem:$0x560];
	[tilespmem:$0xA90] =	vst v37;
	s18 =	spop (v2sf)  }
0x44: {  	v43 =	vld [tilespmem:$0x570];
	[tilespmem:$0xAA0] =	vst v38;
	(v2sf) =	vpush v0, $0xE;
	s5 =	sadd.f32 s5, s18  }
0x45: {  	v44 =	vld [tilespmem:$0x600];
	[tilespmem:$0xAB0] =	vst v39;
	s19 =	spop (v2sf)  }
0x46: {  	v45 =	vld [tilespmem:$0x610];
	[tilespmem:$0xAC0] =	vst v40;
	(v2sf) =	vpush v0, $0xF;
	s5 =	sadd.f32 s5, s19  }
0x47: {  	v46 =	vld [tilespmem:$0x620];
	[tilespmem:$0xAD0] =	vst v41;
	s20 =	spop (v2sf)  }
0x48: {  	v47 =	vld [tilespmem:$0x630];
	[tilespmem:$0xAE0] =	vst v42;
	s5 =	sadd.f32 s5, s20  }
0x49: {  	v48 =	vld [tilespmem:$0x640];
	[tilespmem:$0xAF0] =	vst v43;
	s21 =	spop (v2sf)  }
0x4a: {  	v49 =	vld [tilespmem:$0x650];
	[tilespmem:$0xB00] =	vst v44;
	s5 =	sadd.f32 s5, s21  }
0x4b: {  	v50 =	vld [tilespmem:$0x660];
	[tilespmem:$0xB10] =	vst v45;
	s22 =	spop (v2sf)  }
0x4c: {  	v51 =	vld [tilespmem:$0x670];
	[tilespmem:$0xB20] =	vst v46;
	s5 =	sadd.f32 s5, s22  }
0x4d: {  	v52 =	vld [tilespmem:$0x700];
	[tilespmem:$0xB30] =	vst v47;
	s23 =	spop (v2sf)  }
0x4e: {  	v53 =	vld [tilespmem:$0x710];
	[tilespmem:$0xB40] =	vst v48;
	s5 =	sadd.f32 s5, s23  }
0x4f: {  	v54 =	vld [tilespmem:$0x720];
	[tilespmem:$0xB50] =	vst v49;
	s24 =	spop (v2sf)  }
0x50: {  	v55 =	vld [tilespmem:$0x730];
	[tilespmem:$0xB60] =	vst v50;
	s5 =	sadd.f32 s5, s24  }
0x51: {  	v56 =	vld [tilespmem:$0x740];
	[tilespmem:$0xB70] =	vst v51;
	s25 =	spop (v2sf)  }
0x52: {  	[tilespmem:$0xB80] =	vst v52;
	v57 =	vld [tilespmem:$0x750];
	s5 =	sadd.f32 s5, s25  }
0x53: {  	[tilespmem:$0xB90] =	vst v53;
	v58 =	vld [tilespmem:$0x760];
	s26 =	spop (v2sf)  }
0x54: {  	[tilespmem:$0xBA0] =	vst v54;
	s5 =	sadd.f32 s5, s26  }
0x55: {  	v59 =	vld [tilespmem:$0x770];
	[tilespmem:$0xBB0] =	vst v55;
	s28 =	spop (v2sf)  }
0x56: {  	v60 =	vld [tilespmem:$0x800];
	[tilespmem:$0xBC0] =	vst v56;
	s5 =	sadd.f32 s5, s28  }
0x57: {  	v61 =	vld [tilespmem:$0x810];
	[tilespmem:$0xBD0] =	vst v57  }
0x58: {  	v62 =	vld [tilespmem:$0x820];
	[tilespmem:$0xBE0] =	vst v58;
	v63 =	vmov s5  }
0x59: {  	[tilespmem:$0xC31] =	vst v63;
	v63 =	vld [tilespmem:$0x830]  }
0x5a: {  	[tilespmem:$0xBF0] =	vst v59  }
0x5b: {  	[tilespmem:$0xC00] =	vst v60  }
0x5c: {  	[tilespmem:$0xC10] =	vst v61  }
0x5d: {  	s29 =	simm.s32 $0x200;
	[tilespmem:$0xC20] =	vst v62  }
0x5e: {  	s30 =	simm.s32 $0x880;
	s31 =	simm.s32 $0x2;
	s2 =	sadd.s32 s2, s8;
	[tilespmem:$0xC30] =	vst v63  }
0x5f: {  	[hbm4b:s2+s10] =	stream.strided.scatter [tilespmem:s30], [sflag:$0x2], $0x400, s29, s10, $0x38;
	[tilespmem:$0xC80] =	vst v63  }
0x60: {  	_ =	swait.ge [sflag:s31], $0x400  }
0x61: {  	[sflag:s31] =	ssyncset.done $0x0  }
0x62: {  	[sflag:s31] =	ssyncadd.s32 $0xFFFFFC00  }
.LBB2_2:
0x63: {  	_ =	sfence.sel $0x180000  }
0x64: {  	[bflag:$0x0] =	sbarrier.arrive $0xFFFF  }
0x65: {  	p0 =	sne.s32 s1, $0x0;
	_ =	strace $0x90000047  }
0x66: {  	s0 =	sadd.s32 @!p0 $0x100000, s0;
	[bflag:$0x2] =	sbarrier.arrive $0xFFFF  }
0x67: {  	[sflag:s0] =	ssyncadd.tile.s32 @!p0 $0x1;
	_ =	shalt  }
.Lfunc_end2:
_tile_overlayer_lowered:
.L_overlay_start_2:
0x68: {  	(tag) =	ssettag $0x2  }
0x69: {  	s0 =	rddreg [dreg:$0x0];
	s2 =	stileid.u32  }
0x6a: {  	s1 =	rddreg [dreg:$0x1];
	p0 =	sne.s32 s2, $0x0  }
0x6b: {  	s3 =	rddreg [dreg:$0x2];
	[bflag:$0x3] =	sbarrier.arrive $0xFFFF;
	s2 =	simm.s32 @!p0 $0x1C03  }
0x6c: {  	[timem:s3], [sflag:s2] =	dma.local @!p0 [hbm:s0], s1  }
0x6d: {  	s0 =	simm.s32 @!p0 $0x3  }
0x6e: {  	_ =	swait.ge @!p0 [sflag:s0], s1  }
0x6f: {  	s1 =	ssub.s32 @!p0 $0x0, s1;
	[sflag:s0] =	ssyncset.done @!p0 $0x0  }
0x70: {  	[sflag:s0] =	ssyncadd.s32 @!p0 s1  }
0x71: {  	[bflag:$0x3] =	sbarrier.arrive $0xFFFF  }
0x72: {  	_ =	shalt  }

</sc_bundles>
